<compile_context>
chip_gen: v7x
topology: tpu7x:2x2x1
jax: 0.10.2.dev20260603
libtpu: 0.0.44.dev20260713+nightly
codegen_flags: <defaults>
</compile_context>

<pallas_src>
import functools

import jax
import jax.numpy as jnp
from jax import lax
from jax.experimental import pallas as pl
from jax.experimental.pallas import tpu as pltpu
from jax.experimental.pallas import tpu_sc as plsc

B = 32
SH, SW = 32, 32
L = 128
D = 1024
T = SH * SW + L
CHUNKS = (16, 16)
NPG = 16
NBG = 2
PPW = T // NPG
CR = 24
NCI = PPW // CR
NR = 4


def _sc_gather(xidx, embedding, bk):
    mesh = plsc.VectorSubcoreMesh(core_axis_name="c", subcore_axis_name="s")
    bpw = bk // NBG
    nt = bpw * NCI

    @functools.partial(
        pl.kernel,
        mesh=mesh,
        out_type=jax.ShapeDtypeStruct((bk, T, D), jnp.float32),
        scratch_types=[
            pltpu.VMEM((nt, CR), jnp.int32),
            pltpu.VMEM((CR, D), jnp.float32),
            pltpu.VMEM((CR, D), jnp.float32),
            pltpu.VMEM((CR, D), jnp.float32),
            pltpu.VMEM((CR, D), jnp.float32),
            pltpu.SemaphoreType.DMA,
            pltpu.SemaphoreType.DMA,
            pltpu.SemaphoreType.DMA,
            pltpu.SemaphoreType.DMA,
            pltpu.SemaphoreType.DMA,
            pltpu.SemaphoreType.DMA,
            pltpu.SemaphoreType.DMA,
            pltpu.SemaphoreType.DMA,
        ],
    )
    def k(x_hbm, emb_hbm, out_hbm,
          idx_v, buf0, buf1, buf2, buf3,
          sg0, sg1, sg2, sg3, sw0, sw1, sw2, sw3):
        pg = lax.axis_index("s")
        bg = lax.axis_index("c")
        p0 = pl.multiple_of(pg * PPW, 8)

        bufs = (buf0, buf1, buf2, buf3)
        sgat = (sg0, sg1, sg2, sg3)
        swri = (sw0, sw1, sw2, sw3)

        pltpu.sync_copy(x_hbm.at[pg, bg], idx_v)

        def issue_gather(t, r):
            pltpu.async_copy(emb_hbm.at[idx_v.at[t]], bufs[r], sgat[r])

        def wait_gather(r):
            pltpu.make_async_copy(emb_hbm.at[idx_v.at[0]],
                                  bufs[r], sgat[r]).wait()

        def issue_write(t, r):
            bl = t // NCI
            ci = t % NCI
            bglob = bg * bpw + bl
            off = pl.multiple_of(p0 + ci * CR, 8)
            pltpu.async_copy(bufs[r], out_hbm.at[bglob, pl.ds(off, CR)],
                             swri[r])

        def wait_write(r):
            pltpu.make_async_copy(bufs[r], out_hbm.at[0, pl.ds(0, CR)],
                                  swri[r]).wait()

        def slot(t, r):
            @pl.when(t + (NR - 1) < nt)
            def _():
                @pl.when(t >= 1)
                def _():
                    wait_write((r + NR - 1) % NR)
                issue_gather(t + (NR - 1), (r + NR - 1) % NR)

            wait_gather(r)
            issue_write(t, r)

        for t in range(min(NR - 1, nt)):
            issue_gather(t, t)

        def ibody(i, c):
            for r in range(NR):
                slot(NR * i + r, r)
            return c

        lax.fori_loop(0, nt // NR, ibody, 0)
        for j in range(nt % NR):
            t = (nt // NR) * NR + j
            slot(jnp.int32(t), t % NR)
        for r in range(min(NR, nt)):
            wait_write(r)

    return k(xidx, embedding)


def _pos_body(h_ref, w_ref, l_ref, out_ref):
    hh = jnp.broadcast_to(h_ref[...][:, None, :], (SH, SW, D))
    ww = jnp.broadcast_to(w_ref[...][None, :, :], (SH, SW, D))
    out_ref[: SH * SW, :] = (hh + ww).reshape(SH * SW, D)
    out_ref[SH * SW :, :] = l_ref[...]


def _tc_pos(height_emb, width_emb, length_emb):
    return pl.pallas_call(
        _pos_body,
        out_shape=jax.ShapeDtypeStruct((T, D), jnp.float32),
    )(height_emb, width_emb, length_emb)


def _add_first_body(g_ref, p_ref, out_ref):
    out_ref[...] = g_ref[...] + p_ref[...][None]


def _add_next_body(prev_ref, g_ref, p_ref, out_ref):
    del prev_ref
    out_ref[...] = g_ref[...] + p_ref[...][None]


def _tc_add(out_prev, g, pos, bk, ob):
    if out_prev is None:
        return pl.pallas_call(
            _add_first_body,
            grid=(bk,),
            in_specs=[
                pl.BlockSpec((1, T, D), lambda b: (b, 0, 0)),
                pl.BlockSpec((T, D), lambda b: (0, 0)),
            ],
            out_specs=pl.BlockSpec((1, T, D), lambda b: (b, 0, 0)),
            out_shape=jax.ShapeDtypeStruct((B, T, D), jnp.float32),
        )(g, pos)
    return pl.pallas_call(
        _add_next_body,
        grid=(bk,),
        in_specs=[
            pl.BlockSpec(memory_space=pl.ANY),
            pl.BlockSpec((1, T, D), lambda b: (b, 0, 0)),
            pl.BlockSpec((T, D), lambda b: (0, 0)),
        ],
        out_specs=pl.BlockSpec((1, T, D),
                               lambda b, ob=ob: (ob + b, 0, 0)),
        out_shape=jax.ShapeDtypeStruct((B, T, D), jnp.float32),
        input_output_aliases={0: 0},
    )(out_prev, g, pos)


@jax.jit
def kernel(x, embedding, height_emb, width_emb, length_emb):
    xi = x.astype(jnp.int32)
    pos = _tc_pos(height_emb, width_emb, length_emb)
    gs = []
    ob = 0
    for bk in CHUNKS:
        bpw = bk // NBG
        xk = (xi[ob:ob + bk]
              .reshape(NBG, bpw, NPG, NCI, CR).transpose(2, 0, 1, 3, 4)
              .reshape(NPG, NBG, bpw * NCI, CR))
        gs.append(_sc_gather(xk, embedding, bk))
        ob += bk
    out = None
    ob = 0
    for bk, g in zip(CHUNKS, gs):
        out = _tc_add(out, g, pos, bk, ob)
        ob += bk
    return out

# --- scband reference (transcript-rebuilt; emitter-appended) ---
"""Pipeline reference for scband-fuse-embedding-15427522527558 (READ-ONLY COPY).

The authoritative reference and input builder live on the scoring server;
editing this copy changes nothing except your own understanding.
"""

import jax, jax.numpy as jnp
import numpy as np

B = 32
SH, SW = 32, 32
L = 128
D = 1024
NUM_EMBED = 2887 + 16640 + 1  # 19528


def setup_inputs(seed: int = 0) -> dict:
    key = jax.random.key(seed)
    k_x, k_e, k_h, k_w, k_l = jax.random.split(key, 5)
    x = jax.random.randint(k_x, (B, SH * SW + L), 0, NUM_EMBED)
    embedding = jax.random.normal(k_e, (NUM_EMBED, D), dtype=jnp.float32) * 0.02
    height_emb = jax.random.normal(k_h, (SH, D), dtype=jnp.float32) * 0.02
    width_emb = jax.random.normal(k_w, (SW, D), dtype=jnp.float32) * 0.02
    length_emb = jax.random.normal(k_l, (L, D), dtype=jnp.float32) * 0.02
    return {
        "x": x,
        "embedding": embedding,
        "height_emb": height_emb,
        "width_emb": width_emb,
        "length_emb": length_emb,
    }


def reference(x, embedding, height_emb, width_emb, length_emb):
    img_index = x[:, : SH * SW]
    text_index = x[:, -L:]
    # text embedding + length positional embedding
    txt_emb = jnp.take(embedding, text_index, axis=0)
    lg_emb = jnp.take(length_emb, jnp.arange(text_index.shape[1]), axis=0)
    txt_emb = txt_emb + lg_emb[None, :, :]
    # image embedding + 2D positional embedding
    img_emb = jnp.take(embedding, img_index, axis=0)
    h = jnp.take(height_emb, jnp.arange(SH), axis=0)[None, :, None, :]  # [1, SH, 1, D]
    w = jnp.take(width_emb, jnp.arange(SW), axis=0)[None, None, :, :]   # [1, 1, SW, D]
    pos_emb = (h + w).reshape(1, SH * SW, D)
    img_emb = img_emb + pos_emb[:, : img_emb.shape[1], :]
    emb = jnp.concatenate([img_emb, txt_emb], axis=1)
    return emb

if __name__ == "__main__":
    import jax
    _d = setup_inputs()
    print(jax.jit(kernel)(*tuple(_d.values())))

</pallas_src>

<mosaic_0001>
#map = affine_map<(d0, d1) -> (0, 0, 0, 0)>
#map1 = affine_map<(d0, d1) -> (0, 0)>
#map2 = affine_map<(d0, d1) -> (0, 0, 0)>
module attributes {stable_mosaic.version = 14 : i64} {
  func.func @k(%arg0: i32, %arg1: i32, %arg2: memref<16x2x24x24xi32, #tpu.memory_space<hbm>>, %arg3: memref<19528x1024xf32, #tpu.memory_space<hbm>>, %arg4: memref<16x1152x1024xf32, #tpu.memory_space<hbm>>, %arg5: memref<24x24xi32, #tpu.memory_space<vmem>>, %arg6: memref<24x1024xf32, #tpu.memory_space<vmem>>, %arg7: memref<24x1024xf32, #tpu.memory_space<vmem>>, %arg8: memref<24x1024xf32, #tpu.memory_space<vmem>>, %arg9: memref<24x1024xf32, #tpu.memory_space<vmem>>, %arg10: memref<!tpu.dma_semaphore, #tpu.memory_space<semaphore_mem>>, %arg11: memref<!tpu.dma_semaphore, #tpu.memory_space<semaphore_mem>>, %arg12: memref<!tpu.dma_semaphore, #tpu.memory_space<semaphore_mem>>, %arg13: memref<!tpu.dma_semaphore, #tpu.memory_space<semaphore_mem>>, %arg14: memref<!tpu.dma_semaphore, #tpu.memory_space<semaphore_mem>>, %arg15: memref<!tpu.dma_semaphore, #tpu.memory_space<semaphore_mem>>, %arg16: memref<!tpu.dma_semaphore, #tpu.memory_space<semaphore_mem>>, %arg17: memref<!tpu.dma_semaphore, #tpu.memory_space<semaphore_mem>>) attributes {dimension_semantics = [#tpu.dimension_semantics<core_parallel>, #tpu.dimension_semantics<subcore_parallel>], iteration_bounds = array<i64: 2, 16>, scalar_prefetch = 0 : i64, scratch_operands = 13 : i64, tpu.core_type = #tpu.core_type<sc_vector_subcore>, window_params = [{transform_indices = #map}, {transform_indices = #map1}, {transform_indices = #map2}]} {
    %mul3A = arith.constant 72 : i32
    %mul3A_0 = arith.muli %arg1, %mul3A : i32
    %multiple_of3A = tpu.assume_multiple %mul3A_0, 8 : i32
    "tpu.region"() ({
      %run_scoped3A = tpu.sem_alloc : memref<!tpu.dma_semaphore, #tpu.memory_space<semaphore_mem>>
      %dma_start3A_61 = arith.constant 0 : i32
      %dma_start3A_62 = arith.constant 0 : i32
      %dma_start3A_63 = tpu.memref_slice %arg2[%arg1, %arg0, %dma_start3A_61, %dma_start3A_62] : memref<16x2x24x24xi32, #tpu.memory_space<hbm>> -> memref<1x1x24x24xi32, #tpu.memory_space<hbm>>
      %dma_start3A_64 = tpu.memref_squeeze %dma_start3A_63 : memref<1x1x24x24xi32, #tpu.memory_space<hbm>> -> memref<24x24xi32, #tpu.memory_space<hbm>>
      %dma_start3A_65 = arith.constant 0 : i32
      %dma_start3A_66 = arith.constant 0 : i32
      %dma_start3A_67 = tpu.memref_slice %arg2[%arg1, %arg0, %dma_start3A_65, %dma_start3A_66] : memref<16x2x24x24xi32, #tpu.memory_space<hbm>> -> memref<1x1x24x24xi32, #tpu.memory_space<hbm>>
      %dma_start3A_68 = tpu.memref_squeeze %dma_start3A_67 : memref<1x1x24x24xi32, #tpu.memory_space<hbm>> -> memref<24x24xi32, #tpu.memory_space<hbm>>
      tpu.enqueue_dma source(%dma_start3A_68 : memref<24x24xi32, #tpu.memory_space<hbm>>) target(%arg5 : memref<24x24xi32, #tpu.memory_space<vmem>>) target_semaphore(%run_scoped3A : memref<!tpu.dma_semaphore, #tpu.memory_space<semaphore_mem>>)
      %dma_wait3A_69 = arith.constant 0 : i32
      %dma_wait3A_70 = arith.constant 0 : i32
      %dma_wait3A_71 = tpu.memref_slice %arg2[%arg1, %arg0, %dma_wait3A_69, %dma_wait3A_70] : memref<16x2x24x24xi32, #tpu.memory_space<hbm>> -> memref<1x1x24x24xi32, #tpu.memory_space<hbm>>
      %dma_wait3A_72 = tpu.memref_squeeze %dma_wait3A_71 : memref<1x1x24x24xi32, #tpu.memory_space<hbm>> -> memref<24x24xi32, #tpu.memory_space<hbm>>
      %dma_wait3A_73 = arith.constant 0 : i32
      %dma_wait3A_74 = arith.constant 0 : i32
      %dma_wait3A_75 = tpu.memref_slice %arg2[%arg1, %arg0, %dma_wait3A_73, %dma_wait3A_74] : memref<16x2x24x24xi32, #tpu.memory_space<hbm>> -> memref<1x1x24x24xi32, #tpu.memory_space<hbm>>
      %dma_wait3A_76 = tpu.memref_squeeze %dma_wait3A_75 : memref<1x1x24x24xi32, #tpu.memory_space<hbm>> -> memref<24x24xi32, #tpu.memory_space<hbm>>
      tpu.wait_dma2 semaphore(%run_scoped3A : memref<!tpu.dma_semaphore, #tpu.memory_space<semaphore_mem>>) src(%dma_wait3A_76 : memref<24x24xi32, #tpu.memory_space<hbm>>) dst(%arg5 : memref<24x24xi32, #tpu.memory_space<vmem>>)
      tpu.yield
    }) : () -> ()
    %dma_start3A = arith.constant 0 : i32
    %dma_start3A_1 = arith.constant 0 : i32
    %dma_start3A_2 = tpu.memref_slice %arg5[%dma_start3A, %dma_start3A_1] : memref<24x24xi32, #tpu.memory_space<vmem>> -> memref<1x24xi32, #tpu.memory_space<vmem>>
    %dma_start3A_3 = tpu.memref_squeeze %dma_start3A_2 : memref<1x24xi32, #tpu.memory_space<vmem>> -> memref<24xi32, #tpu.memory_space<vmem>>
    %dma_start3A_4 = arith.constant 0 : i32
    %dma_start3A_5 = arith.constant 0 : i32
    %dma_start3A_6 = tpu.memref_slice %arg3[%dma_start3A_4, %dma_start3A_5] : memref<19528x1024xf32, #tpu.memory_space<hbm>> -> memref<19528x1024xf32, #tpu.memory_space<hbm>>
    tpu.enqueue_indirect_dma source(%dma_start3A_6 : memref<19528x1024xf32, #tpu.memory_space<hbm>>) target(%arg6 : memref<24x1024xf32, #tpu.memory_space<vmem>>) offsets(%dma_start3A_3 : memref<24xi32, #tpu.memory_space<vmem>>) semaphore(%arg10 : memref<!tpu.dma_semaphore, #tpu.memory_space<semaphore_mem>>)
    %dma_start3A_7 = arith.constant 1 : i32
    %dma_start3A_8 = arith.constant 0 : i32
    %dma_start3A_9 = tpu.memref_slice %arg5[%dma_start3A_7, %dma_start3A_8] : memref<24x24xi32, #tpu.memory_space<vmem>> -> memref<1x24xi32, #tpu.memory_space<vmem>>
    %dma_start3A_10 = tpu.memref_squeeze %dma_start3A_9 : memref<1x24xi32, #tpu.memory_space<vmem>> -> memref<24xi32, #tpu.memory_space<vmem>>
    %dma_start3A_11 = arith.constant 0 : i32
    %dma_start3A_12 = arith.constant 0 : i32
    %dma_start3A_13 = tpu.memref_slice %arg3[%dma_start3A_11, %dma_start3A_12] : memref<19528x1024xf32, #tpu.memory_space<hbm>> -> memref<19528x1024xf32, #tpu.memory_space<hbm>>
    tpu.enqueue_indirect_dma source(%dma_start3A_13 : memref<19528x1024xf32, #tpu.memory_space<hbm>>) target(%arg7 : memref<24x1024xf32, #tpu.memory_space<vmem>>) offsets(%dma_start3A_10 : memref<24xi32, #tpu.memory_space<vmem>>) semaphore(%arg11 : memref<!tpu.dma_semaphore, #tpu.memory_space<semaphore_mem>>)
    %dma_start3A_14 = arith.constant 2 : i32
    %dma_start3A_15 = arith.constant 0 : i32
    %dma_start3A_16 = tpu.memref_slice %arg5[%dma_start3A_14, %dma_start3A_15] : memref<24x24xi32, #tpu.memory_space<vmem>> -> memref<1x24xi32, #tpu.memory_space<vmem>>
    %dma_start3A_17 = tpu.memref_squeeze %dma_start3A_16 : memref<1x24xi32, #tpu.memory_space<vmem>> -> memref<24xi32, #tpu.memory_space<vmem>>
    %dma_start3A_18 = arith.constant 0 : i32
    %dma_start3A_19 = arith.constant 0 : i32
    %dma_start3A_20 = tpu.memref_slice %arg3[%dma_start3A_18, %dma_start3A_19] : memref<19528x1024xf32, #tpu.memory_space<hbm>> -> memref<19528x1024xf32, #tpu.memory_space<hbm>>
    tpu.enqueue_indirect_dma source(%dma_start3A_20 : memref<19528x1024xf32, #tpu.memory_space<hbm>>) target(%arg8 : memref<24x1024xf32, #tpu.memory_space<vmem>>) offsets(%dma_start3A_17 : memref<24xi32, #tpu.memory_space<vmem>>) semaphore(%arg12 : memref<!tpu.dma_semaphore, #tpu.memory_space<semaphore_mem>>)
    %scan3A = arith.constant 0 : i32
    %scan3A_21 = arith.constant 0 : i32
    %scan3A_22 = arith.constant 6 : i32
    %scan3A_23 = arith.addi %scan3A_21, %scan3A_22 : i32
    %scan3A_24 = arith.constant 1 : i32
    scf.for %scan3A_61 = %scan3A_21 to %scan3A_23 step %scan3A_24  : i32 {
      %mul3A_62 = arith.constant 4 : i32
      %mul3A_63 = arith.muli %mul3A_62, %scan3A_61 : i32
      %add3A = arith.constant 0 : i32
      %add3A_64 = arith.addi %mul3A_63, %add3A : i32
      %add3A_65 = arith.constant 3 : i32
      %add3A_66 = arith.addi %add3A_64, %add3A_65 : i32
      %lt3A = arith.constant 24 : i32
      %lt3A_67 = arith.cmpi slt, %add3A_66, %lt3A : i32
      %convert_element_type3A = arith.extui %lt3A_67 : i1 to i32
      %cond3A = arith.constant 0 : i32
      %cond3A_68 = arith.cmpi ne, %convert_element_type3A, %cond3A : i32
      scf.if %cond3A_68 {
        %ge3A = arith.constant 1 : i32
        %ge3A_333 = arith.cmpi sge, %add3A_64, %ge3A : i32
        %convert_element_type3A_334 = arith.extui %ge3A_333 : i1 to i32
        %cond3A_335 = arith.constant 0 : i32
        %cond3A_336 = arith.cmpi ne, %convert_element_type3A_334, %cond3A_335 : i32
        scf.if %cond3A_336 {
          %dma_wait3A_345 = arith.constant 0 : i32
          %dma_wait3A_346 = arith.constant 0 : i32
          %dma_wait3A_347 = arith.constant 0 : i32
          %dma_wait3A_348 = tpu.memref_slice %arg4[%dma_wait3A_345, %dma_wait3A_346, %dma_wait3A_347] : memref<16x1152x1024xf32, #tpu.memory_space<hbm>> -> memref<1x24x1024xf32, #tpu.memory_space<hbm>>
          %dma_wait3A_349 = tpu.memref_squeeze %dma_wait3A_348 : memref<1x24x1024xf32, #tpu.memory_space<hbm>> -> memref<24x1024xf32, #tpu.memory_space<hbm>>
          %dma_wait3A_350 = arith.constant 0 : i32
          %dma_wait3A_351 = arith.constant 0 : i32
          %dma_wait3A_352 = tpu.memref_slice %arg4[%dma_wait3A_345, %dma_wait3A_350, %dma_wait3A_351] : memref<16x1152x1024xf32, #tpu.memory_space<hbm>> -> memref<1x24x1024xf32, #tpu.memory_space<hbm>>
          %dma_wait3A_353 = tpu.memref_squeeze %dma_wait3A_352 : memref<1x24x1024xf32, #tpu.memory_space<hbm>> -> memref<24x1024xf32, #tpu.memory_space<hbm>>
          tpu.wait_dma2 semaphore(%arg17 : memref<!tpu.dma_semaphore, #tpu.memory_space<semaphore_mem>>) src(%arg9 : memref<24x1024xf32, #tpu.memory_space<vmem>>) dst(%dma_wait3A_353 : memref<24x1024xf32, #tpu.memory_space<hbm>>)
        } else {
        }
        %add3A_337 = arith.constant 3 : i32
        %add3A_338 = arith.addi %add3A_64, %add3A_337 : i32
        %dma_start3A_339 = arith.constant 0 : i32
        %dma_start3A_340 = tpu.memref_slice %arg5[%add3A_338, %dma_start3A_339] : memref<24x24xi32, #tpu.memory_space<vmem>> -> memref<1x24xi32, #tpu.memory_space<vmem>>
        %dma_start3A_341 = tpu.memref_squeeze %dma_start3A_340 : memref<1x24xi32, #tpu.memory_space<vmem>> -> memref<24xi32, #tpu.memory_space<vmem>>
        %dma_start3A_342 = arith.constant 0 : i32
        %dma_start3A_343 = arith.constant 0 : i32
        %dma_start3A_344 = tpu.memref_slice %arg3[%dma_start3A_342, %dma_start3A_343] : memref<19528x1024xf32, #tpu.memory_space<hbm>> -> memref<19528x1024xf32, #tpu.memory_space<hbm>>
        tpu.enqueue_indirect_dma source(%dma_start3A_344 : memref<19528x1024xf32, #tpu.memory_space<hbm>>) target(%arg9 : memref<24x1024xf32, #tpu.memory_space<vmem>>) offsets(%dma_start3A_341 : memref<24xi32, #tpu.memory_space<vmem>>) semaphore(%arg13 : memref<!tpu.dma_semaphore, #tpu.memory_space<semaphore_mem>>)
      } else {
      }
      %dma_wait3A_69 = arith.constant 0 : i32
      %dma_wait3A_70 = arith.constant 0 : i32
      %dma_wait3A_71 = tpu.memref_slice %arg5[%dma_wait3A_69, %dma_wait3A_70] : memref<24x24xi32, #tpu.memory_space<vmem>> -> memref<1x24xi32, #tpu.memory_space<vmem>>
      %dma_wait3A_72 = tpu.memref_squeeze %dma_wait3A_71 : memref<1x24xi32, #tpu.memory_space<vmem>> -> memref<24xi32, #tpu.memory_space<vmem>>
      %dma_wait3A_73 = arith.constant 0 : i32
      %dma_wait3A_74 = arith.constant 0 : i32
      %dma_wait3A_75 = tpu.memref_slice %arg3[%dma_wait3A_73, %dma_wait3A_74] : memref<19528x1024xf32, #tpu.memory_space<hbm>> -> memref<19528x1024xf32, #tpu.memory_space<hbm>>
      tpu.wait_indirect_dma semaphore(%arg10 : memref<!tpu.dma_semaphore, #tpu.memory_space<semaphore_mem>>) src(%dma_wait3A_75 : memref<19528x1024xf32, #tpu.memory_space<hbm>>) dst(%arg6 : memref<24x1024xf32, #tpu.memory_space<vmem>>)
      %jit3A = arith.constant 3 : i32
      %div3A = arith.divsi %add3A_64, %jit3A : i32
      %sign3A = arith.constant 0 : i32
      %sign3A_76 = arith.cmpi sgt, %add3A_64, %sign3A : i32
      %sign3A_77 = arith.extui %sign3A_76 : i1 to i32
      %sign3A_78 = arith.constant 0 : i32
      %sign3A_79 = arith.cmpi slt, %add3A_64, %sign3A_78 : i32
      %sign3A_80 = arith.extui %sign3A_79 : i1 to i32
      %sign3A_81 = arith.subi %sign3A_77, %sign3A_80 : i32
      %sign3A_82 = arith.constant 0 : i32
      %sign3A_83 = arith.cmpi sgt, %jit3A, %sign3A_82 : i32
      %sign3A_84 = arith.extui %sign3A_83 : i1 to i32
      %sign3A_85 = arith.constant 0 : i32
      %sign3A_86 = arith.cmpi slt, %jit3A, %sign3A_85 : i32
      %sign3A_87 = arith.extui %sign3A_86 : i1 to i32
      %sign3A_88 = arith.subi %sign3A_84, %sign3A_87 : i32
      %ne3A = arith.cmpi ne, %sign3A_81, %sign3A_88 : i32
      %rem3A = arith.remsi %add3A_64, %jit3A : i32
      %ne3A_89 = arith.constant 0 : i32
      %ne3A_90 = arith.cmpi ne, %rem3A, %ne3A_89 : i32
      %and3A = arith.andi %ne3A, %ne3A_90 : i1
      %sub3A = arith.constant 1 : i32
      %sub3A_91 = arith.subi %div3A, %sub3A : i32
      %select_n3A = arith.select %and3A, %sub3A_91, %div3A : i32
      %jit3A_92 = arith.constant 3 : i32
      %eq3A = arith.constant 0 : i32
      %eq3A_93 = arith.cmpi eq, %jit3A_92, %eq3A : i32
      %jit3A_94 = arith.constant 1 : i32
      %select_n3A_95 = arith.select %eq3A_93, %jit3A_94, %jit3A_92 : i32
      %rem3A_96 = arith.remsi %add3A_64, %select_n3A_95 : i32
      %ne3A_97 = arith.constant 0 : i32
      %ne3A_98 = arith.cmpi ne, %rem3A_96, %ne3A_97 : i32
      %lt3A_99 = arith.constant 0 : i32
      %lt3A_100 = arith.cmpi slt, %rem3A_96, %lt3A_99 : i32
      %lt3A_101 = arith.constant 0 : i32
      %lt3A_102 = arith.cmpi slt, %select_n3A_95, %lt3A_101 : i32
      %ne3A_103 = arith.xori %lt3A_100, %lt3A_102 : i1
      %and3A_104 = arith.andi %ne3A_103, %ne3A_98 : i1
      %add3A_105 = arith.addi %rem3A_96, %select_n3A_95 : i32
      %select_n3A_106 = arith.select %and3A_104, %add3A_105, %rem3A_96 : i32
      %mul3A_107 = arith.constant 8 : i32
      %mul3A_108 = arith.muli %arg0, %mul3A_107 : i32
      %add3A_109 = arith.addi %mul3A_108, %select_n3A : i32
      %mul3A_110 = arith.constant 24 : i32
      %mul3A_111 = arith.muli %select_n3A_106, %mul3A_110 : i32
      %add3A_112 = arith.addi %multiple_of3A, %mul3A_111 : i32
      %multiple_of3A_113 = tpu.assume_multiple %add3A_112, 8 : i32
      %dma_start3A_114 = arith.constant 0 : i32
      %dma_start3A_115 = tpu.memref_slice %arg4[%add3A_109, %multiple_of3A_113, %dma_start3A_114] : memref<16x1152x1024xf32, #tpu.memory_space<hbm>> -> memref<1x24x1024xf32, #tpu.memory_space<hbm>>
      %dma_start3A_116 = tpu.memref_squeeze %dma_start3A_115 : memref<1x24x1024xf32, #tpu.memory_space<hbm>> -> memref<24x1024xf32, #tpu.memory_space<hbm>>
      %dma_start3A_117 = arith.constant 0 : i32
      %dma_start3A_118 = tpu.memref_slice %arg4[%add3A_109, %multiple_of3A_113, %dma_start3A_117] : memref<16x1152x1024xf32, #tpu.memory_space<hbm>> -> memref<1x24x1024xf32, #tpu.memory_space<hbm>>
      %dma_start3A_119 = tpu.memref_squeeze %dma_start3A_118 : memref<1x24x1024xf32, #tpu.memory_space<hbm>> -> memref<24x1024xf32, #tpu.memory_space<hbm>>
      tpu.enqueue_dma source(%arg6 : memref<24x1024xf32, #tpu.memory_space<vmem>>) target(%dma_start3A_119 : memref<24x1024xf32, #tpu.memory_space<hbm>>) target_semaphore(%arg14 : memref<!tpu.dma_semaphore, #tpu.memory_space<semaphore_mem>>)
      %mul3A_120 = arith.constant 4 : i32
      %mul3A_121 = arith.muli %mul3A_120, %scan3A_61 : i32
      %add3A_122 = arith.constant 1 : i32
      %add3A_123 = arith.addi %mul3A_121, %add3A_122 : i32
      %add3A_124 = arith.constant 3 : i32
      %add3A_125 = arith.addi %add3A_123, %add3A_124 : i32
      %lt3A_126 = arith.constant 24 : i32
      %lt3A_127 = arith.cmpi slt, %add3A_125, %lt3A_126 : i32
      %convert_element_type3A_128 = arith.extui %lt3A_127 : i1 to i32
      %cond3A_129 = arith.constant 0 : i32
      %cond3A_130 = arith.cmpi ne, %convert_element_type3A_128, %cond3A_129 : i32
      scf.if %cond3A_130 {
        %ge3A = arith.constant 1 : i32
        %ge3A_333 = arith.cmpi sge, %add3A_123, %ge3A : i32
        %convert_element_type3A_334 = arith.extui %ge3A_333 : i1 to i32
        %cond3A_335 = arith.constant 0 : i32
        %cond3A_336 = arith.cmpi ne, %convert_element_type3A_334, %cond3A_335 : i32
        scf.if %cond3A_336 {
          %dma_wait3A_345 = arith.constant 0 : i32
          %dma_wait3A_346 = arith.constant 0 : i32
          %dma_wait3A_347 = arith.constant 0 : i32
          %dma_wait3A_348 = tpu.memref_slice %arg4[%dma_wait3A_345, %dma_wait3A_346, %dma_wait3A_347] : memref<16x1152x1024xf32, #tpu.memory_space<hbm>> -> memref<1x24x1024xf32, #tpu.memory_space<hbm>>
          %dma_wait3A_349 = tpu.memref_squeeze %dma_wait3A_348 : memref<1x24x1024xf32, #tpu.memory_space<hbm>> -> memref<24x1024xf32, #tpu.memory_space<hbm>>
          %dma_wait3A_350 = arith.constant 0 : i32
          %dma_wait3A_351 = arith.constant 0 : i32
          %dma_wait3A_352 = tpu.memref_slice %arg4[%dma_wait3A_345, %dma_wait3A_350, %dma_wait3A_351] : memref<16x1152x1024xf32, #tpu.memory_space<hbm>> -> memref<1x24x1024xf32, #tpu.memory_space<hbm>>
          %dma_wait3A_353 = tpu.memref_squeeze %dma_wait3A_352 : memref<1x24x1024xf32, #tpu.memory_space<hbm>> -> memref<24x1024xf32, #tpu.memory_space<hbm>>
          tpu.wait_dma2 semaphore(%arg14 : memref<!tpu.dma_semaphore, #tpu.memory_space<semaphore_mem>>) src(%arg6 : memref<24x1024xf32, #tpu.memory_space<vmem>>) dst(%dma_wait3A_353 : memref<24x1024xf32, #tpu.memory_space<hbm>>)
        } else {
        }
        %add3A_337 = arith.constant 3 : i32
        %add3A_338 = arith.addi %add3A_123, %add3A_337 : i32
        %dma_start3A_339 = arith.constant 0 : i32
        %dma_start3A_340 = tpu.memref_slice %arg5[%add3A_338, %dma_start3A_339] : memref<24x24xi32, #tpu.memory_space<vmem>> -> memref<1x24xi32, #tpu.memory_space<vmem>>
        %dma_start3A_341 = tpu.memref_squeeze %dma_start3A_340 : memref<1x24xi32, #tpu.memory_space<vmem>> -> memref<24xi32, #tpu.memory_space<vmem>>
        %dma_start3A_342 = arith.constant 0 : i32
        %dma_start3A_343 = arith.constant 0 : i32
        %dma_start3A_344 = tpu.memref_slice %arg3[%dma_start3A_342, %dma_start3A_343] : memref<19528x1024xf32, #tpu.memory_space<hbm>> -> memref<19528x1024xf32, #tpu.memory_space<hbm>>
        tpu.enqueue_indirect_dma source(%dma_start3A_344 : memref<19528x1024xf32, #tpu.memory_space<hbm>>) target(%arg6 : memref<24x1024xf32, #tpu.memory_space<vmem>>) offsets(%dma_start3A_341 : memref<24xi32, #tpu.memory_space<vmem>>) semaphore(%arg10 : memref<!tpu.dma_semaphore, #tpu.memory_space<semaphore_mem>>)
      } else {
      }
      %dma_wait3A_131 = arith.constant 0 : i32
      %dma_wait3A_132 = arith.constant 0 : i32
      %dma_wait3A_133 = tpu.memref_slice %arg5[%dma_wait3A_131, %dma_wait3A_132] : memref<24x24xi32, #tpu.memory_space<vmem>> -> memref<1x24xi32, #tpu.memory_space<vmem>>
      %dma_wait3A_134 = tpu.memref_squeeze %dma_wait3A_133 : memref<1x24xi32, #tpu.memory_space<vmem>> -> memref<24xi32, #tpu.memory_space<vmem>>
      %dma_wait3A_135 = arith.constant 0 : i32
      %dma_wait3A_136 = arith.constant 0 : i32
      %dma_wait3A_137 = tpu.memref_slice %arg3[%dma_wait3A_135, %dma_wait3A_136] : memref<19528x1024xf32, #tpu.memory_space<hbm>> -> memref<19528x1024xf32, #tpu.memory_space<hbm>>
      tpu.wait_indirect_dma semaphore(%arg11 : memref<!tpu.dma_semaphore, #tpu.memory_space<semaphore_mem>>) src(%dma_wait3A_137 : memref<19528x1024xf32, #tpu.memory_space<hbm>>) dst(%arg7 : memref<24x1024xf32, #tpu.memory_space<vmem>>)
      %jit3A_138 = arith.constant 3 : i32
      %div3A_139 = arith.divsi %add3A_123, %jit3A_138 : i32
      %sign3A_140 = arith.constant 0 : i32
      %sign3A_141 = arith.cmpi sgt, %add3A_123, %sign3A_140 : i32
      %sign3A_142 = arith.extui %sign3A_141 : i1 to i32
      %sign3A_143 = arith.constant 0 : i32
      %sign3A_144 = arith.cmpi slt, %add3A_123, %sign3A_143 : i32
      %sign3A_145 = arith.extui %sign3A_144 : i1 to i32
      %sign3A_146 = arith.subi %sign3A_142, %sign3A_145 : i32
      %sign3A_147 = arith.constant 0 : i32
      %sign3A_148 = arith.cmpi sgt, %jit3A_138, %sign3A_147 : i32
      %sign3A_149 = arith.extui %sign3A_148 : i1 to i32
      %sign3A_150 = arith.constant 0 : i32
      %sign3A_151 = arith.cmpi slt, %jit3A_138, %sign3A_150 : i32
      %sign3A_152 = arith.extui %sign3A_151 : i1 to i32
      %sign3A_153 = arith.subi %sign3A_149, %sign3A_152 : i32
      %ne3A_154 = arith.cmpi ne, %sign3A_146, %sign3A_153 : i32
      %rem3A_155 = arith.remsi %add3A_123, %jit3A_138 : i32
      %ne3A_156 = arith.constant 0 : i32
      %ne3A_157 = arith.cmpi ne, %rem3A_155, %ne3A_156 : i32
      %and3A_158 = arith.andi %ne3A_154, %ne3A_157 : i1
      %sub3A_159 = arith.constant 1 : i32
      %sub3A_160 = arith.subi %div3A_139, %sub3A_159 : i32
      %select_n3A_161 = arith.select %and3A_158, %sub3A_160, %div3A_139 : i32
      %jit3A_162 = arith.constant 3 : i32
      %eq3A_163 = arith.constant 0 : i32
      %eq3A_164 = arith.cmpi eq, %jit3A_162, %eq3A_163 : i32
      %jit3A_165 = arith.constant 1 : i32
      %select_n3A_166 = arith.select %eq3A_164, %jit3A_165, %jit3A_162 : i32
      %rem3A_167 = arith.remsi %add3A_123, %select_n3A_166 : i32
      %ne3A_168 = arith.constant 0 : i32
      %ne3A_169 = arith.cmpi ne, %rem3A_167, %ne3A_168 : i32
      %lt3A_170 = arith.constant 0 : i32
      %lt3A_171 = arith.cmpi slt, %rem3A_167, %lt3A_170 : i32
      %lt3A_172 = arith.constant 0 : i32
      %lt3A_173 = arith.cmpi slt, %select_n3A_166, %lt3A_172 : i32
      %ne3A_174 = arith.xori %lt3A_171, %lt3A_173 : i1
      %and3A_175 = arith.andi %ne3A_174, %ne3A_169 : i1
      %add3A_176 = arith.addi %rem3A_167, %select_n3A_166 : i32
      %select_n3A_177 = arith.select %and3A_175, %add3A_176, %rem3A_167 : i32
      %mul3A_178 = arith.constant 8 : i32
      %mul3A_179 = arith.muli %arg0, %mul3A_178 : i32
      %add3A_180 = arith.addi %mul3A_179, %select_n3A_161 : i32
      %mul3A_181 = arith.constant 24 : i32
      %mul3A_182 = arith.muli %select_n3A_177, %mul3A_181 : i32
      %add3A_183 = arith.addi %multiple_of3A, %mul3A_182 : i32
      %multiple_of3A_184 = tpu.assume_multiple %add3A_183, 8 : i32
      %dma_start3A_185 = arith.constant 0 : i32
      %dma_start3A_186 = tpu.memref_slice %arg4[%add3A_180, %multiple_of3A_184, %dma_start3A_185] : memref<16x1152x1024xf32, #tpu.memory_space<hbm>> -> memref<1x24x1024xf32, #tpu.memory_space<hbm>>
      %dma_start3A_187 = tpu.memref_squeeze %dma_start3A_186 : memref<1x24x1024xf32, #tpu.memory_space<hbm>> -> memref<24x1024xf32, #tpu.memory_space<hbm>>
      %dma_start3A_188 = arith.constant 0 : i32
      %dma_start3A_189 = tpu.memref_slice %arg4[%add3A_180, %multiple_of3A_184, %dma_start3A_188] : memref<16x1152x1024xf32, #tpu.memory_space<hbm>> -> memref<1x24x1024xf32, #tpu.memory_space<hbm>>
      %dma_start3A_190 = tpu.memref_squeeze %dma_start3A_189 : memref<1x24x1024xf32, #tpu.memory_space<hbm>> -> memref<24x1024xf32, #tpu.memory_space<hbm>>
      tpu.enqueue_dma source(%arg7 : memref<24x1024xf32, #tpu.memory_space<vmem>>) target(%dma_start3A_190 : memref<24x1024xf32, #tpu.memory_space<hbm>>) target_semaphore(%arg15 : memref<!tpu.dma_semaphore, #tpu.memory_space<semaphore_mem>>)
      %mul3A_191 = arith.constant 4 : i32
      %mul3A_192 = arith.muli %mul3A_191, %scan3A_61 : i32
      %add3A_193 = arith.constant 2 : i32
      %add3A_194 = arith.addi %mul3A_192, %add3A_193 : i32
      %add3A_195 = arith.constant 3 : i32
      %add3A_196 = arith.addi %add3A_194, %add3A_195 : i32
      %lt3A_197 = arith.constant 24 : i32
      %lt3A_198 = arith.cmpi slt, %add3A_196, %lt3A_197 : i32
      %convert_element_type3A_199 = arith.extui %lt3A_198 : i1 to i32
      %cond3A_200 = arith.constant 0 : i32
      %cond3A_201 = arith.cmpi ne, %convert_element_type3A_199, %cond3A_200 : i32
      scf.if %cond3A_201 {
        %ge3A = arith.constant 1 : i32
        %ge3A_333 = arith.cmpi sge, %add3A_194, %ge3A : i32
        %convert_element_type3A_334 = arith.extui %ge3A_333 : i1 to i32
        %cond3A_335 = arith.constant 0 : i32
        %cond3A_336 = arith.cmpi ne, %convert_element_type3A_334, %cond3A_335 : i32
        scf.if %cond3A_336 {
          %dma_wait3A_345 = arith.constant 0 : i32
          %dma_wait3A_346 = arith.constant 0 : i32
          %dma_wait3A_347 = arith.constant 0 : i32
          %dma_wait3A_348 = tpu.memref_slice %arg4[%dma_wait3A_345, %dma_wait3A_346, %dma_wait3A_347] : memref<16x1152x1024xf32, #tpu.memory_space<hbm>> -> memref<1x24x1024xf32, #tpu.memory_space<hbm>>
          %dma_wait3A_349 = tpu.memref_squeeze %dma_wait3A_348 : memref<1x24x1024xf32, #tpu.memory_space<hbm>> -> memref<24x1024xf32, #tpu.memory_space<hbm>>
          %dma_wait3A_350 = arith.constant 0 : i32
          %dma_wait3A_351 = arith.constant 0 : i32
          %dma_wait3A_352 = tpu.memref_slice %arg4[%dma_wait3A_345, %dma_wait3A_350, %dma_wait3A_351] : memref<16x1152x1024xf32, #tpu.memory_space<hbm>> -> memref<1x24x1024xf32, #tpu.memory_space<hbm>>
          %dma_wait3A_353 = tpu.memref_squeeze %dma_wait3A_352 : memref<1x24x1024xf32, #tpu.memory_space<hbm>> -> memref<24x1024xf32, #tpu.memory_space<hbm>>
          tpu.wait_dma2 semaphore(%arg15 : memref<!tpu.dma_semaphore, #tpu.memory_space<semaphore_mem>>) src(%arg7 : memref<24x1024xf32, #tpu.memory_space<vmem>>) dst(%dma_wait3A_353 : memref<24x1024xf32, #tpu.memory_space<hbm>>)
        } else {
        }
        %add3A_337 = arith.constant 3 : i32
        %add3A_338 = arith.addi %add3A_194, %add3A_337 : i32
        %dma_start3A_339 = arith.constant 0 : i32
        %dma_start3A_340 = tpu.memref_slice %arg5[%add3A_338, %dma_start3A_339] : memref<24x24xi32, #tpu.memory_space<vmem>> -> memref<1x24xi32, #tpu.memory_space<vmem>>
        %dma_start3A_341 = tpu.memref_squeeze %dma_start3A_340 : memref<1x24xi32, #tpu.memory_space<vmem>> -> memref<24xi32, #tpu.memory_space<vmem>>
        %dma_start3A_342 = arith.constant 0 : i32
        %dma_start3A_343 = arith.constant 0 : i32
        %dma_start3A_344 = tpu.memref_slice %arg3[%dma_start3A_342, %dma_start3A_343] : memref<19528x1024xf32, #tpu.memory_space<hbm>> -> memref<19528x1024xf32, #tpu.memory_space<hbm>>
        tpu.enqueue_indirect_dma source(%dma_start3A_344 : memref<19528x1024xf32, #tpu.memory_space<hbm>>) target(%arg7 : memref<24x1024xf32, #tpu.memory_space<vmem>>) offsets(%dma_start3A_341 : memref<24xi32, #tpu.memory_space<vmem>>) semaphore(%arg11 : memref<!tpu.dma_semaphore, #tpu.memory_space<semaphore_mem>>)
      } else {
      }
      %dma_wait3A_202 = arith.constant 0 : i32
      %dma_wait3A_203 = arith.constant 0 : i32
      %dma_wait3A_204 = tpu.memref_slice %arg5[%dma_wait3A_202, %dma_wait3A_203] : memref<24x24xi32, #tpu.memory_space<vmem>> -> memref<1x24xi32, #tpu.memory_space<vmem>>
      %dma_wait3A_205 = tpu.memref_squeeze %dma_wait3A_204 : memref<1x24xi32, #tpu.memory_space<vmem>> -> memref<24xi32, #tpu.memory_space<vmem>>
      %dma_wait3A_206 = arith.constant 0 : i32
      %dma_wait3A_207 = arith.constant 0 : i32
      %dma_wait3A_208 = tpu.memref_slice %arg3[%dma_wait3A_206, %dma_wait3A_207] : memref<19528x1024xf32, #tpu.memory_space<hbm>> -> memref<19528x1024xf32, #tpu.memory_space<hbm>>
      tpu.wait_indirect_dma semaphore(%arg12 : memref<!tpu.dma_semaphore, #tpu.memory_space<semaphore_mem>>) src(%dma_wait3A_208 : memref<19528x1024xf32, #tpu.memory_space<hbm>>) dst(%arg8 : memref<24x1024xf32, #tpu.memory_space<vmem>>)
      %jit3A_209 = arith.constant 3 : i32
      %div3A_210 = arith.divsi %add3A_194, %jit3A_209 : i32
      %sign3A_211 = arith.constant 0 : i32
      %sign3A_212 = arith.cmpi sgt, %add3A_194, %sign3A_211 : i32
      %sign3A_213 = arith.extui %sign3A_212 : i1 to i32
      %sign3A_214 = arith.constant 0 : i32
      %sign3A_215 = arith.cmpi slt, %add3A_194, %sign3A_214 : i32
      %sign3A_216 = arith.extui %sign3A_215 : i1 to i32
      %sign3A_217 = arith.subi %sign3A_213, %sign3A_216 : i32
      %sign3A_218 = arith.constant 0 : i32
      %sign3A_219 = arith.cmpi sgt, %jit3A_209, %sign3A_218 : i32
      %sign3A_220 = arith.extui %sign3A_219 : i1 to i32
      %sign3A_221 = arith.constant 0 : i32
      %sign3A_222 = arith.cmpi slt, %jit3A_209, %sign3A_221 : i32
      %sign3A_223 = arith.extui %sign3A_222 : i1 to i32
      %sign3A_224 = arith.subi %sign3A_220, %sign3A_223 : i32
      %ne3A_225 = arith.cmpi ne, %sign3A_217, %sign3A_224 : i32
      %rem3A_226 = arith.remsi %add3A_194, %jit3A_209 : i32
      %ne3A_227 = arith.constant 0 : i32
      %ne3A_228 = arith.cmpi ne, %rem3A_226, %ne3A_227 : i32
      %and3A_229 = arith.andi %ne3A_225, %ne3A_228 : i1
      %sub3A_230 = arith.constant 1 : i32
      %sub3A_231 = arith.subi %div3A_210, %sub3A_230 : i32
      %select_n3A_232 = arith.select %and3A_229, %sub3A_231, %div3A_210 : i32
      %jit3A_233 = arith.constant 3 : i32
      %eq3A_234 = arith.constant 0 : i32
      %eq3A_235 = arith.cmpi eq, %jit3A_233, %eq3A_234 : i32
      %jit3A_236 = arith.constant 1 : i32
      %select_n3A_237 = arith.select %eq3A_235, %jit3A_236, %jit3A_233 : i32
      %rem3A_238 = arith.remsi %add3A_194, %select_n3A_237 : i32
      %ne3A_239 = arith.constant 0 : i32
      %ne3A_240 = arith.cmpi ne, %rem3A_238, %ne3A_239 : i32
      %lt3A_241 = arith.constant 0 : i32
      %lt3A_242 = arith.cmpi slt, %rem3A_238, %lt3A_241 : i32
      %lt3A_243 = arith.constant 0 : i32
      %lt3A_244 = arith.cmpi slt, %select_n3A_237, %lt3A_243 : i32
      %ne3A_245 = arith.xori %lt3A_242, %lt3A_244 : i1
      %and3A_246 = arith.andi %ne3A_245, %ne3A_240 : i1
      %add3A_247 = arith.addi %rem3A_238, %select_n3A_237 : i32
      %select_n3A_248 = arith.select %and3A_246, %add3A_247, %rem3A_238 : i32
      %mul3A_249 = arith.constant 8 : i32
      %mul3A_250 = arith.muli %arg0, %mul3A_249 : i32
      %add3A_251 = arith.addi %mul3A_250, %select_n3A_232 : i32
      %mul3A_252 = arith.constant 24 : i32
      %mul3A_253 = arith.muli %select_n3A_248, %mul3A_252 : i32
      %add3A_254 = arith.addi %multiple_of3A, %mul3A_253 : i32
      %multiple_of3A_255 = tpu.assume_multiple %add3A_254, 8 : i32
      %dma_start3A_256 = arith.constant 0 : i32
      %dma_start3A_257 = tpu.memref_slice %arg4[%add3A_251, %multiple_of3A_255, %dma_start3A_256] : memref<16x1152x1024xf32, #tpu.memory_space<hbm>> -> memref<1x24x1024xf32, #tpu.memory_space<hbm>>
      %dma_start3A_258 = tpu.memref_squeeze %dma_start3A_257 : memref<1x24x1024xf32, #tpu.memory_space<hbm>> -> memref<24x1024xf32, #tpu.memory_space<hbm>>
      %dma_start3A_259 = arith.constant 0 : i32
      %dma_start3A_260 = tpu.memref_slice %arg4[%add3A_251, %multiple_of3A_255, %dma_start3A_259] : memref<16x1152x1024xf32, #tpu.memory_space<hbm>> -> memref<1x24x1024xf32, #tpu.memory_space<hbm>>
      %dma_start3A_261 = tpu.memref_squeeze %dma_start3A_260 : memref<1x24x1024xf32, #tpu.memory_space<hbm>> -> memref<24x1024xf32, #tpu.memory_space<hbm>>
      tpu.enqueue_dma source(%arg8 : memref<24x1024xf32, #tpu.memory_space<vmem>>) target(%dma_start3A_261 : memref<24x1024xf32, #tpu.memory_space<hbm>>) target_semaphore(%arg16 : memref<!tpu.dma_semaphore, #tpu.memory_space<semaphore_mem>>)
      %mul3A_262 = arith.constant 4 : i32
      %mul3A_263 = arith.muli %mul3A_262, %scan3A_61 : i32
      %add3A_264 = arith.constant 3 : i32
      %add3A_265 = arith.addi %mul3A_263, %add3A_264 : i32
      %add3A_266 = arith.constant 3 : i32
      %add3A_267 = arith.addi %add3A_265, %add3A_266 : i32
      %lt3A_268 = arith.constant 24 : i32
      %lt3A_269 = arith.cmpi slt, %add3A_267, %lt3A_268 : i32
      %convert_element_type3A_270 = arith.extui %lt3A_269 : i1 to i32
      %cond3A_271 = arith.constant 0 : i32
      %cond3A_272 = arith.cmpi ne, %convert_element_type3A_270, %cond3A_271 : i32
      scf.if %cond3A_272 {
        %ge3A = arith.constant 1 : i32
        %ge3A_333 = arith.cmpi sge, %add3A_265, %ge3A : i32
        %convert_element_type3A_334 = arith.extui %ge3A_333 : i1 to i32
        %cond3A_335 = arith.constant 0 : i32
        %cond3A_336 = arith.cmpi ne, %convert_element_type3A_334, %cond3A_335 : i32
        scf.if %cond3A_336 {
          %dma_wait3A_345 = arith.constant 0 : i32
          %dma_wait3A_346 = arith.constant 0 : i32
          %dma_wait3A_347 = arith.constant 0 : i32
          %dma_wait3A_348 = tpu.memref_slice %arg4[%dma_wait3A_345, %dma_wait3A_346, %dma_wait3A_347] : memref<16x1152x1024xf32, #tpu.memory_space<hbm>> -> memref<1x24x1024xf32, #tpu.memory_space<hbm>>
          %dma_wait3A_349 = tpu.memref_squeeze %dma_wait3A_348 : memref<1x24x1024xf32, #tpu.memory_space<hbm>> -> memref<24x1024xf32, #tpu.memory_space<hbm>>
          %dma_wait3A_350 = arith.constant 0 : i32
          %dma_wait3A_351 = arith.constant 0 : i32
          %dma_wait3A_352 = tpu.memref_slice %arg4[%dma_wait3A_345, %dma_wait3A_350, %dma_wait3A_351] : memref<16x1152x1024xf32, #tpu.memory_space<hbm>> -> memref<1x24x1024xf32, #tpu.memory_space<hbm>>
          %dma_wait3A_353 = tpu.memref_squeeze %dma_wait3A_352 : memref<1x24x1024xf32, #tpu.memory_space<hbm>> -> memref<24x1024xf32, #tpu.memory_space<hbm>>
          tpu.wait_dma2 semaphore(%arg16 : memref<!tpu.dma_semaphore, #tpu.memory_space<semaphore_mem>>) src(%arg8 : memref<24x1024xf32, #tpu.memory_space<vmem>>) dst(%dma_wait3A_353 : memref<24x1024xf32, #tpu.memory_space<hbm>>)
        } else {
        }
        %add3A_337 = arith.constant 3 : i32
        %add3A_338 = arith.addi %add3A_265, %add3A_337 : i32
        %dma_start3A_339 = arith.constant 0 : i32
        %dma_start3A_340 = tpu.memref_slice %arg5[%add3A_338, %dma_start3A_339] : memref<24x24xi32, #tpu.memory_space<vmem>> -> memref<1x24xi32, #tpu.memory_space<vmem>>
        %dma_start3A_341 = tpu.memref_squeeze %dma_start3A_340 : memref<1x24xi32, #tpu.memory_space<vmem>> -> memref<24xi32, #tpu.memory_space<vmem>>
        %dma_start3A_342 = arith.constant 0 : i32
        %dma_start3A_343 = arith.constant 0 : i32
        %dma_start3A_344 = tpu.memref_slice %arg3[%dma_start3A_342, %dma_start3A_343] : memref<19528x1024xf32, #tpu.memory_space<hbm>> -> memref<19528x1024xf32, #tpu.memory_space<hbm>>
        tpu.enqueue_indirect_dma source(%dma_start3A_344 : memref<19528x1024xf32, #tpu.memory_space<hbm>>) target(%arg8 : memref<24x1024xf32, #tpu.memory_space<vmem>>) offsets(%dma_start3A_341 : memref<24xi32, #tpu.memory_space<vmem>>) semaphore(%arg12 : memref<!tpu.dma_semaphore, #tpu.memory_space<semaphore_mem>>)
      } else {
      }
      %dma_wait3A_273 = arith.constant 0 : i32
      %dma_wait3A_274 = arith.constant 0 : i32
      %dma_wait3A_275 = tpu.memref_slice %arg5[%dma_wait3A_273, %dma_wait3A_274] : memref<24x24xi32, #tpu.memory_space<vmem>> -> memref<1x24xi32, #tpu.memory_space<vmem>>
      %dma_wait3A_276 = tpu.memref_squeeze %dma_wait3A_275 : memref<1x24xi32, #tpu.memory_space<vmem>> -> memref<24xi32, #tpu.memory_space<vmem>>
      %dma_wait3A_277 = arith.constant 0 : i32
      %dma_wait3A_278 = arith.constant 0 : i32
      %dma_wait3A_279 = tpu.memref_slice %arg3[%dma_wait3A_277, %dma_wait3A_278] : memref<19528x1024xf32, #tpu.memory_space<hbm>> -> memref<19528x1024xf32, #tpu.memory_space<hbm>>
      tpu.wait_indirect_dma semaphore(%arg13 : memref<!tpu.dma_semaphore, #tpu.memory_space<semaphore_mem>>) src(%dma_wait3A_279 : memref<19528x1024xf32, #tpu.memory_space<hbm>>) dst(%arg9 : memref<24x1024xf32, #tpu.memory_space<vmem>>)
      %jit3A_280 = arith.constant 3 : i32
      %div3A_281 = arith.divsi %add3A_265, %jit3A_280 : i32
      %sign3A_282 = arith.constant 0 : i32
      %sign3A_283 = arith.cmpi sgt, %add3A_265, %sign3A_282 : i32
      %sign3A_284 = arith.extui %sign3A_283 : i1 to i32
      %sign3A_285 = arith.constant 0 : i32
      %sign3A_286 = arith.cmpi slt, %add3A_265, %sign3A_285 : i32
      %sign3A_287 = arith.extui %sign3A_286 : i1 to i32
      %sign3A_288 = arith.subi %sign3A_284, %sign3A_287 : i32
      %sign3A_289 = arith.constant 0 : i32
      %sign3A_290 = arith.cmpi sgt, %jit3A_280, %sign3A_289 : i32
      %sign3A_291 = arith.extui %sign3A_290 : i1 to i32
      %sign3A_292 = arith.constant 0 : i32
      %sign3A_293 = arith.cmpi slt, %jit3A_280, %sign3A_292 : i32
      %sign3A_294 = arith.extui %sign3A_293 : i1 to i32
      %sign3A_295 = arith.subi %sign3A_291, %sign3A_294 : i32
      %ne3A_296 = arith.cmpi ne, %sign3A_288, %sign3A_295 : i32
      %rem3A_297 = arith.remsi %add3A_265, %jit3A_280 : i32
      %ne3A_298 = arith.constant 0 : i32
      %ne3A_299 = arith.cmpi ne, %rem3A_297, %ne3A_298 : i32
      %and3A_300 = arith.andi %ne3A_296, %ne3A_299 : i1
      %sub3A_301 = arith.constant 1 : i32
      %sub3A_302 = arith.subi %div3A_281, %sub3A_301 : i32
      %select_n3A_303 = arith.select %and3A_300, %sub3A_302, %div3A_281 : i32
      %jit3A_304 = arith.constant 3 : i32
      %eq3A_305 = arith.constant 0 : i32
      %eq3A_306 = arith.cmpi eq, %jit3A_304, %eq3A_305 : i32
      %jit3A_307 = arith.constant 1 : i32
      %select_n3A_308 = arith.select %eq3A_306, %jit3A_307, %jit3A_304 : i32
      %rem3A_309 = arith.remsi %add3A_265, %select_n3A_308 : i32
      %ne3A_310 = arith.constant 0 : i32
      %ne3A_311 = arith.cmpi ne, %rem3A_309, %ne3A_310 : i32
      %lt3A_312 = arith.constant 0 : i32
      %lt3A_313 = arith.cmpi slt, %rem3A_309, %lt3A_312 : i32
      %lt3A_314 = arith.constant 0 : i32
      %lt3A_315 = arith.cmpi slt, %select_n3A_308, %lt3A_314 : i32
      %ne3A_316 = arith.xori %lt3A_313, %lt3A_315 : i1
      %and3A_317 = arith.andi %ne3A_316, %ne3A_311 : i1
      %add3A_318 = arith.addi %rem3A_309, %select_n3A_308 : i32
      %select_n3A_319 = arith.select %and3A_317, %add3A_318, %rem3A_309 : i32
      %mul3A_320 = arith.constant 8 : i32
      %mul3A_321 = arith.muli %arg0, %mul3A_320 : i32
      %add3A_322 = arith.addi %mul3A_321, %select_n3A_303 : i32
      %mul3A_323 = arith.constant 24 : i32
      %mul3A_324 = arith.muli %select_n3A_319, %mul3A_323 : i32
      %add3A_325 = arith.addi %multiple_of3A, %mul3A_324 : i32
      %multiple_of3A_326 = tpu.assume_multiple %add3A_325, 8 : i32
      %dma_start3A_327 = arith.constant 0 : i32
      %dma_start3A_328 = tpu.memref_slice %arg4[%add3A_322, %multiple_of3A_326, %dma_start3A_327] : memref<16x1152x1024xf32, #tpu.memory_space<hbm>> -> memref<1x24x1024xf32, #tpu.memory_space<hbm>>
      %dma_start3A_329 = tpu.memref_squeeze %dma_start3A_328 : memref<1x24x1024xf32, #tpu.memory_space<hbm>> -> memref<24x1024xf32, #tpu.memory_space<hbm>>
      %dma_start3A_330 = arith.constant 0 : i32
      %dma_start3A_331 = tpu.memref_slice %arg4[%add3A_322, %multiple_of3A_326, %dma_start3A_330] : memref<16x1152x1024xf32, #tpu.memory_space<hbm>> -> memref<1x24x1024xf32, #tpu.memory_space<hbm>>
      %dma_start3A_332 = tpu.memref_squeeze %dma_start3A_331 : memref<1x24x1024xf32, #tpu.memory_space<hbm>> -> memref<24x1024xf32, #tpu.memory_space<hbm>>
      tpu.enqueue_dma source(%arg9 : memref<24x1024xf32, #tpu.memory_space<vmem>>) target(%dma_start3A_332 : memref<24x1024xf32, #tpu.memory_space<hbm>>) target_semaphore(%arg17 : memref<!tpu.dma_semaphore, #tpu.memory_space<semaphore_mem>>)
    }
    %scan3A_25 = arith.constant 6 : i32
    %dma_wait3A = arith.constant 0 : i32
    %dma_wait3A_26 = arith.constant 0 : i32
    %dma_wait3A_27 = arith.constant 0 : i32
    %dma_wait3A_28 = tpu.memref_slice %arg4[%dma_wait3A, %dma_wait3A_26, %dma_wait3A_27] : memref<16x1152x1024xf32, #tpu.memory_space<hbm>> -> memref<1x24x1024xf32, #tpu.memory_space<hbm>>
    %dma_wait3A_29 = tpu.memref_squeeze %dma_wait3A_28 : memref<1x24x1024xf32, #tpu.memory_space<hbm>> -> memref<24x1024xf32, #tpu.memory_space<hbm>>
    %dma_wait3A_30 = arith.constant 0 : i32
    %dma_wait3A_31 = arith.constant 0 : i32
    %dma_wait3A_32 = tpu.memref_slice %arg4[%dma_wait3A, %dma_wait3A_30, %dma_wait3A_31] : memref<16x1152x1024xf32, #tpu.memory_space<hbm>> -> memref<1x24x1024xf32, #tpu.memory_space<hbm>>
    %dma_wait3A_33 = tpu.memref_squeeze %dma_wait3A_32 : memref<1x24x1024xf32, #tpu.memory_space<hbm>> -> memref<24x1024xf32, #tpu.memory_space<hbm>>
    tpu.wait_dma2 semaphore(%arg14 : memref<!tpu.dma_semaphore, #tpu.memory_space<semaphore_mem>>) src(%arg6 : memref<24x1024xf32, #tpu.memory_space<vmem>>) dst(%dma_wait3A_33 : memref<24x1024xf32, #tpu.memory_space<hbm>>)
    %dma_wait3A_34 = arith.constant 0 : i32
    %dma_wait3A_35 = arith.constant 0 : i32
    %dma_wait3A_36 = arith.constant 0 : i32
    %dma_wait3A_37 = tpu.memref_slice %arg4[%dma_wait3A_34, %dma_wait3A_35, %dma_wait3A_36] : memref<16x1152x1024xf32, #tpu.memory_space<hbm>> -> memref<1x24x1024xf32, #tpu.memory_space<hbm>>
    %dma_wait3A_38 = tpu.memref_squeeze %dma_wait3A_37 : memref<1x24x1024xf32, #tpu.memory_space<hbm>> -> memref<24x1024xf32, #tpu.memory_space<hbm>>
    %dma_wait3A_39 = arith.constant 0 : i32
    %dma_wait3A_40 = arith.constant 0 : i32
    %dma_wait3A_41 = tpu.memref_slice %arg4[%dma_wait3A_34, %dma_wait3A_39, %dma_wait3A_40] : memref<16x1152x1024xf32, #tpu.memory_space<hbm>> -> memref<1x24x1024xf32, #tpu.memory_space<hbm>>
    %dma_wait3A_42 = tpu.memref_squeeze %dma_wait3A_41 : memref<1x24x1024xf32, #tpu.memory_space<hbm>> -> memref<24x1024xf32, #tpu.memory_space<hbm>>
    tpu.wait_dma2 semaphore(%arg15 : memref<!tpu.dma_semaphore, #tpu.memory_space<semaphore_mem>>) src(%arg7 : memref<24x1024xf32, #tpu.memory_space<vmem>>) dst(%dma_wait3A_42 : memref<24x1024xf32, #tpu.memory_space<hbm>>)
    %dma_wait3A_43 = arith.constant 0 : i32
    %dma_wait3A_44 = arith.constant 0 : i32
    %dma_wait3A_45 = arith.constant 0 : i32
    %dma_wait3A_46 = tpu.memref_slice %arg4[%dma_wait3A_43, %dma_wait3A_44, %dma_wait3A_45] : memref<16x1152x1024xf32, #tpu.memory_space<hbm>> -> memref<1x24x1024xf32, #tpu.memory_space<hbm>>
    %dma_wait3A_47 = tpu.memref_squeeze %dma_wait3A_46 : memref<1x24x1024xf32, #tpu.memory_space<hbm>> -> memref<24x1024xf32, #tpu.memory_space<hbm>>
    %dma_wait3A_48 = arith.constant 0 : i32
    %dma_wait3A_49 = arith.constant 0 : i32
    %dma_wait3A_50 = tpu.memref_slice %arg4[%dma_wait3A_43, %dma_wait3A_48, %dma_wait3A_49] : memref<16x1152x1024xf32, #tpu.memory_space<hbm>> -> memref<1x24x1024xf32, #tpu.memory_space<hbm>>
    %dma_wait3A_51 = tpu.memref_squeeze %dma_wait3A_50 : memref<1x24x1024xf32, #tpu.memory_space<hbm>> -> memref<24x1024xf32, #tpu.memory_space<hbm>>
    tpu.wait_dma2 semaphore(%arg16 : memref<!tpu.dma_semaphore, #tpu.memory_space<semaphore_mem>>) src(%arg8 : memref<24x1024xf32, #tpu.memory_space<vmem>>) dst(%dma_wait3A_51 : memref<24x1024xf32, #tpu.memory_space<hbm>>)
    %dma_wait3A_52 = arith.constant 0 : i32
    %dma_wait3A_53 = arith.constant 0 : i32
    %dma_wait3A_54 = arith.constant 0 : i32
    %dma_wait3A_55 = tpu.memref_slice %arg4[%dma_wait3A_52, %dma_wait3A_53, %dma_wait3A_54] : memref<16x1152x1024xf32, #tpu.memory_space<hbm>> -> memref<1x24x1024xf32, #tpu.memory_space<hbm>>
    %dma_wait3A_56 = tpu.memref_squeeze %dma_wait3A_55 : memref<1x24x1024xf32, #tpu.memory_space<hbm>> -> memref<24x1024xf32, #tpu.memory_space<hbm>>
    %dma_wait3A_57 = arith.constant 0 : i32
    %dma_wait3A_58 = arith.constant 0 : i32
    %dma_wait3A_59 = tpu.memref_slice %arg4[%dma_wait3A_52, %dma_wait3A_57, %dma_wait3A_58] : memref<16x1152x1024xf32, #tpu.memory_space<hbm>> -> memref<1x24x1024xf32, #tpu.memory_space<hbm>>
    %dma_wait3A_60 = tpu.memref_squeeze %dma_wait3A_59 : memref<1x24x1024xf32, #tpu.memory_space<hbm>> -> memref<24x1024xf32, #tpu.memory_space<hbm>>
    tpu.wait_dma2 semaphore(%arg17 : memref<!tpu.dma_semaphore, #tpu.memory_space<semaphore_mem>>) src(%arg9 : memref<24x1024xf32, #tpu.memory_space<vmem>>) dst(%dma_wait3A_60 : memref<24x1024xf32, #tpu.memory_space<hbm>>)
    return
  }
}

#map = affine_map<(d0, d1) -> (0, 0, 0, 0)>
#map1 = affine_map<(d0, d1) -> (0, 0)>
#map2 = affine_map<(d0, d1) -> (0, 0, 0)>
module attributes {stable_mosaic.version = 14 : i64} {
  func.func @k(%arg0: i32, %arg1: i32, %arg2: memref<16x2x24x24xi32, #tpu.memory_space<hbm>>, %arg3: memref<19528x1024xf32, #tpu.memory_space<hbm>>, %arg4: memref<16x1152x1024xf32, #tpu.memory_space<hbm>>, %arg5: memref<24x24xi32, #tpu.memory_space<vmem>>, %arg6: memref<24x1024xf32, #tpu.memory_space<vmem>>, %arg7: memref<24x1024xf32, #tpu.memory_space<vmem>>, %arg8: memref<24x1024xf32, #tpu.memory_space<vmem>>, %arg9: memref<24x1024xf32, #tpu.memory_space<vmem>>, %arg10: memref<!tpu.dma_semaphore, #tpu.memory_space<semaphore_mem>>, %arg11: memref<!tpu.dma_semaphore, #tpu.memory_space<semaphore_mem>>, %arg12: memref<!tpu.dma_semaphore, #tpu.memory_space<semaphore_mem>>, %arg13: memref<!tpu.dma_semaphore, #tpu.memory_space<semaphore_mem>>, %arg14: memref<!tpu.dma_semaphore, #tpu.memory_space<semaphore_mem>>, %arg15: memref<!tpu.dma_semaphore, #tpu.memory_space<semaphore_mem>>, %arg16: memref<!tpu.dma_semaphore, #tpu.memory_space<semaphore_mem>>, %arg17: memref<!tpu.dma_semaphore, #tpu.memory_space<semaphore_mem>>) attributes {dimension_semantics = [#tpu.dimension_semantics<core_parallel>, #tpu.dimension_semantics<subcore_parallel>], iteration_bounds = array<i64: 2, 16>, scalar_prefetch = 0 : i64, scratch_operands = 13 : i64, tpu.core_type = #tpu.core_type<sc_vector_subcore>, window_params = [{transform_indices = #map}, {transform_indices = #map1}, {transform_indices = #map2}]} {
    %mul3A = arith.constant 72 : i32
    %mul3A_0 = arith.muli %arg1, %mul3A : i32
    %multiple_of3A = tpu.assume_multiple %mul3A_0, 8 : i32
    "tpu.region"() ({
      %run_scoped3A = tpu.sem_alloc : memref<!tpu.dma_semaphore, #tpu.memory_space<semaphore_mem>>
      %dma_start3A_61 = arith.constant 0 : i32
      %dma_start3A_62 = arith.constant 0 : i32
      %dma_start3A_63 = tpu.memref_slice %arg2[%arg1, %arg0, %dma_start3A_61, %dma_start3A_62] : memref<16x2x24x24xi32, #tpu.memory_space<hbm>> -> memref<1x1x24x24xi32, #tpu.memory_space<hbm>>
      %dma_start3A_64 = tpu.memref_squeeze %dma_start3A_63 : memref<1x1x24x24xi32, #tpu.memory_space<hbm>> -> memref<24x24xi32, #tpu.memory_space<hbm>>
      %dma_start3A_65 = arith.constant 0 : i32
      %dma_start3A_66 = arith.constant 0 : i32
      %dma_start3A_67 = tpu.memref_slice %arg2[%arg1, %arg0, %dma_start3A_65, %dma_start3A_66] : memref<16x2x24x24xi32, #tpu.memory_space<hbm>> -> memref<1x1x24x24xi32, #tpu.memory_space<hbm>>
      %dma_start3A_68 = tpu.memref_squeeze %dma_start3A_67 : memref<1x1x24x24xi32, #tpu.memory_space<hbm>> -> memref<24x24xi32, #tpu.memory_space<hbm>>
      tpu.enqueue_dma source(%dma_start3A_68 : memref<24x24xi32, #tpu.memory_space<hbm>>) target(%arg5 : memref<24x24xi32, #tpu.memory_space<vmem>>) target_semaphore(%run_scoped3A : memref<!tpu.dma_semaphore, #tpu.memory_space<semaphore_mem>>)
      %dma_wait3A_69 = arith.constant 0 : i32
      %dma_wait3A_70 = arith.constant 0 : i32
      %dma_wait3A_71 = tpu.memref_slice %arg2[%arg1, %arg0, %dma_wait3A_69, %dma_wait3A_70] : memref<16x2x24x24xi32, #tpu.memory_space<hbm>> -> memref<1x1x24x24xi32, #tpu.memory_space<hbm>>
      %dma_wait3A_72 = tpu.memref_squeeze %dma_wait3A_71 : memref<1x1x24x24xi32, #tpu.memory_space<hbm>> -> memref<24x24xi32, #tpu.memory_space<hbm>>
      %dma_wait3A_73 = arith.constant 0 : i32
      %dma_wait3A_74 = arith.constant 0 : i32
      %dma_wait3A_75 = tpu.memref_slice %arg2[%arg1, %arg0, %dma_wait3A_73, %dma_wait3A_74] : memref<16x2x24x24xi32, #tpu.memory_space<hbm>> -> memref<1x1x24x24xi32, #tpu.memory_space<hbm>>
      %dma_wait3A_76 = tpu.memref_squeeze %dma_wait3A_75 : memref<1x1x24x24xi32, #tpu.memory_space<hbm>> -> memref<24x24xi32, #tpu.memory_space<hbm>>
      tpu.wait_dma2 semaphore(%run_scoped3A : memref<!tpu.dma_semaphore, #tpu.memory_space<semaphore_mem>>) src(%dma_wait3A_76 : memref<24x24xi32, #tpu.memory_space<hbm>>) dst(%arg5 : memref<24x24xi32, #tpu.memory_space<vmem>>)
      tpu.yield
    }) : () -> ()
    %dma_start3A = arith.constant 0 : i32
    %dma_start3A_1 = arith.constant 0 : i32
    %dma_start3A_2 = tpu.memref_slice %arg5[%dma_start3A, %dma_start3A_1] : memref<24x24xi32, #tpu.memory_space<vmem>> -> memref<1x24xi32, #tpu.memory_space<vmem>>
    %dma_start3A_3 = tpu.memref_squeeze %dma_start3A_2 : memref<1x24xi32, #tpu.memory_space<vmem>> -> memref<24xi32, #tpu.memory_space<vmem>>
    %dma_start3A_4 = arith.constant 0 : i32
    %dma_start3A_5 = arith.constant 0 : i32
    %dma_start3A_6 = tpu.memref_slice %arg3[%dma_start3A_4, %dma_start3A_5] : memref<19528x1024xf32, #tpu.memory_space<hbm>> -> memref<19528x1024xf32, #tpu.memory_space<hbm>>
    tpu.enqueue_indirect_dma source(%dma_start3A_6 : memref<19528x1024xf32, #tpu.memory_space<hbm>>) target(%arg6 : memref<24x1024xf32, #tpu.memory_space<vmem>>) offsets(%dma_start3A_3 : memref<24xi32, #tpu.memory_space<vmem>>) semaphore(%arg10 : memref<!tpu.dma_semaphore, #tpu.memory_space<semaphore_mem>>)
    %dma_start3A_7 = arith.constant 1 : i32
    %dma_start3A_8 = arith.constant 0 : i32
    %dma_start3A_9 = tpu.memref_slice %arg5[%dma_start3A_7, %dma_start3A_8] : memref<24x24xi32, #tpu.memory_space<vmem>> -> memref<1x24xi32, #tpu.memory_space<vmem>>
    %dma_start3A_10 = tpu.memref_squeeze %dma_start3A_9 : memref<1x24xi32, #tpu.memory_space<vmem>> -> memref<24xi32, #tpu.memory_space<vmem>>
    %dma_start3A_11 = arith.constant 0 : i32
    %dma_start3A_12 = arith.constant 0 : i32
    %dma_start3A_13 = tpu.memref_slice %arg3[%dma_start3A_11, %dma_start3A_12] : memref<19528x1024xf32, #tpu.memory_space<hbm>> -> memref<19528x1024xf32, #tpu.memory_space<hbm>>
    tpu.enqueue_indirect_dma source(%dma_start3A_13 : memref<19528x1024xf32, #tpu.memory_space<hbm>>) target(%arg7 : memref<24x1024xf32, #tpu.memory_space<vmem>>) offsets(%dma_start3A_10 : memref<24xi32, #tpu.memory_space<vmem>>) semaphore(%arg11 : memref<!tpu.dma_semaphore, #tpu.memory_space<semaphore_mem>>)
    %dma_start3A_14 = arith.constant 2 : i32
    %dma_start3A_15 = arith.constant 0 : i32
    %dma_start3A_16 = tpu.memref_slice %arg5[%dma_start3A_14, %dma_start3A_15] : memref<24x24xi32, #tpu.memory_space<vmem>> -> memref<1x24xi32, #tpu.memory_space<vmem>>
    %dma_start3A_17 = tpu.memref_squeeze %dma_start3A_16 : memref<1x24xi32, #tpu.memory_space<vmem>> -> memref<24xi32, #tpu.memory_space<vmem>>
    %dma_start3A_18 = arith.constant 0 : i32
    %dma_start3A_19 = arith.constant 0 : i32
    %dma_start3A_20 = tpu.memref_slice %arg3[%dma_start3A_18, %dma_start3A_19] : memref<19528x1024xf32, #tpu.memory_space<hbm>> -> memref<19528x1024xf32, #tpu.memory_space<hbm>>
    tpu.enqueue_indirect_dma source(%dma_start3A_20 : memref<19528x1024xf32, #tpu.memory_space<hbm>>) target(%arg8 : memref<24x1024xf32, #tpu.memory_space<vmem>>) offsets(%dma_start3A_17 : memref<24xi32, #tpu.memory_space<vmem>>) semaphore(%arg12 : memref<!tpu.dma_semaphore, #tpu.memory_space<semaphore_mem>>)
    %scan3A = arith.constant 0 : i32
    %scan3A_21 = arith.constant 0 : i32
    %scan3A_22 = arith.constant 6 : i32
    %scan3A_23 = arith.addi %scan3A_21, %scan3A_22 : i32
    %scan3A_24 = arith.constant 1 : i32
    scf.for %scan3A_61 = %scan3A_21 to %scan3A_23 step %scan3A_24  : i32 {
      %mul3A_62 = arith.constant 4 : i32
      %mul3A_63 = arith.muli %mul3A_62, %scan3A_61 : i32
      %add3A = arith.constant 0 : i32
      %add3A_64 = arith.addi %mul3A_63, %add3A : i32
      %add3A_65 = arith.constant 3 : i32
      %add3A_66 = arith.addi %add3A_64, %add3A_65 : i32
      %lt3A = arith.constant 24 : i32
      %lt3A_67 = arith.cmpi slt, %add3A_66, %lt3A : i32
      %convert_element_type3A = arith.extui %lt3A_67 : i1 to i32
      %cond3A = arith.constant 0 : i32
      %cond3A_68 = arith.cmpi ne, %convert_element_type3A, %cond3A : i32
      scf.if %cond3A_68 {
        %ge3A = arith.constant 1 : i32
        %ge3A_333 = arith.cmpi sge, %add3A_64, %ge3A : i32
        %convert_element_type3A_334 = arith.extui %ge3A_333 : i1 to i32
        %cond3A_335 = arith.constant 0 : i32
        %cond3A_336 = arith.cmpi ne, %convert_element_type3A_334, %cond3A_335 : i32
        scf.if %cond3A_336 {
          %dma_wait3A_345 = arith.constant 0 : i32
          %dma_wait3A_346 = arith.constant 0 : i32
          %dma_wait3A_347 = arith.constant 0 : i32
          %dma_wait3A_348 = tpu.memref_slice %arg4[%dma_wait3A_345, %dma_wait3A_346, %dma_wait3A_347] : memref<16x1152x1024xf32, #tpu.memory_space<hbm>> -> memref<1x24x1024xf32, #tpu.memory_space<hbm>>
          %dma_wait3A_349 = tpu.memref_squeeze %dma_wait3A_348 : memref<1x24x1024xf32, #tpu.memory_space<hbm>> -> memref<24x1024xf32, #tpu.memory_space<hbm>>
          %dma_wait3A_350 = arith.constant 0 : i32
          %dma_wait3A_351 = arith.constant 0 : i32
          %dma_wait3A_352 = tpu.memref_slice %arg4[%dma_wait3A_345, %dma_wait3A_350, %dma_wait3A_351] : memref<16x1152x1024xf32, #tpu.memory_space<hbm>> -> memref<1x24x1024xf32, #tpu.memory_space<hbm>>
          %dma_wait3A_353 = tpu.memref_squeeze %dma_wait3A_352 : memref<1x24x1024xf32, #tpu.memory_space<hbm>> -> memref<24x1024xf32, #tpu.memory_space<hbm>>
          tpu.wait_dma2 semaphore(%arg17 : memref<!tpu.dma_semaphore, #tpu.memory_space<semaphore_mem>>) src(%arg9 : memref<24x1024xf32, #tpu.memory_space<vmem>>) dst(%dma_wait3A_353 : memref<24x1024xf32, #tpu.memory_space<hbm>>)
        } else {
        }
        %add3A_337 = arith.constant 3 : i32
        %add3A_338 = arith.addi %add3A_64, %add3A_337 : i32
        %dma_start3A_339 = arith.constant 0 : i32
        %dma_start3A_340 = tpu.memref_slice %arg5[%add3A_338, %dma_start3A_339] : memref<24x24xi32, #tpu.memory_space<vmem>> -> memref<1x24xi32, #tpu.memory_space<vmem>>
        %dma_start3A_341 = tpu.memref_squeeze %dma_start3A_340 : memref<1x24xi32, #tpu.memory_space<vmem>> -> memref<24xi32, #tpu.memory_space<vmem>>
        %dma_start3A_342 = arith.constant 0 : i32
        %dma_start3A_343 = arith.constant 0 : i32
        %dma_start3A_344 = tpu.memref_slice %arg3[%dma_start3A_342, %dma_start3A_343] : memref<19528x1024xf32, #tpu.memory_space<hbm>> -> memref<19528x1024xf32, #tpu.memory_space<hbm>>
        tpu.enqueue_indirect_dma source(%dma_start3A_344 : memref<19528x1024xf32, #tpu.memory_space<hbm>>) target(%arg9 : memref<24x1024xf32, #tpu.memory_space<vmem>>) offsets(%dma_start3A_341 : memref<24xi32, #tpu.memory_space<vmem>>) semaphore(%arg13 : memref<!tpu.dma_semaphore, #tpu.memory_space<semaphore_mem>>)
      } else {
      }
      %dma_wait3A_69 = arith.constant 0 : i32
      %dma_wait3A_70 = arith.constant 0 : i32
      %dma_wait3A_71 = tpu.memref_slice %arg5[%dma_wait3A_69, %dma_wait3A_70] : memref<24x24xi32, #tpu.memory_space<vmem>> -> memref<1x24xi32, #tpu.memory_space<vmem>>
      %dma_wait3A_72 = tpu.memref_squeeze %dma_wait3A_71 : memref<1x24xi32, #tpu.memory_space<vmem>> -> memref<24xi32, #tpu.memory_space<vmem>>
      %dma_wait3A_73 = arith.constant 0 : i32
      %dma_wait3A_74 = arith.constant 0 : i32
      %dma_wait3A_75 = tpu.memref_slice %arg3[%dma_wait3A_73, %dma_wait3A_74] : memref<19528x1024xf32, #tpu.memory_space<hbm>> -> memref<19528x1024xf32, #tpu.memory_space<hbm>>
      tpu.wait_indirect_dma semaphore(%arg10 : memref<!tpu.dma_semaphore, #tpu.memory_space<semaphore_mem>>) src(%dma_wait3A_75 : memref<19528x1024xf32, #tpu.memory_space<hbm>>) dst(%arg6 : memref<24x1024xf32, #tpu.memory_space<vmem>>)
      %jit3A = arith.constant 3 : i32
      %div3A = arith.divsi %add3A_64, %jit3A : i32
      %sign3A = arith.constant 0 : i32
      %sign3A_76 = arith.cmpi sgt, %add3A_64, %sign3A : i32
      %sign3A_77 = arith.extui %sign3A_76 : i1 to i32
      %sign3A_78 = arith.constant 0 : i32
      %sign3A_79 = arith.cmpi slt, %add3A_64, %sign3A_78 : i32
      %sign3A_80 = arith.extui %sign3A_79 : i1 to i32
      %sign3A_81 = arith.subi %sign3A_77, %sign3A_80 : i32
      %sign3A_82 = arith.constant 0 : i32
      %sign3A_83 = arith.cmpi sgt, %jit3A, %sign3A_82 : i32
      %sign3A_84 = arith.extui %sign3A_83 : i1 to i32
      %sign3A_85 = arith.constant 0 : i32
      %sign3A_86 = arith.cmpi slt, %jit3A, %sign3A_85 : i32
      %sign3A_87 = arith.extui %sign3A_86 : i1 to i32
      %sign3A_88 = arith.subi %sign3A_84, %sign3A_87 : i32
      %ne3A = arith.cmpi ne, %sign3A_81, %sign3A_88 : i32
      %rem3A = arith.remsi %add3A_64, %jit3A : i32
      %ne3A_89 = arith.constant 0 : i32
      %ne3A_90 = arith.cmpi ne, %rem3A, %ne3A_89 : i32
      %and3A = arith.andi %ne3A, %ne3A_90 : i1
      %sub3A = arith.constant 1 : i32
      %sub3A_91 = arith.subi %div3A, %sub3A : i32
      %select_n3A = arith.select %and3A, %sub3A_91, %div3A : i32
      %jit3A_92 = arith.constant 3 : i32
      %eq3A = arith.constant 0 : i32
      %eq3A_93 = arith.cmpi eq, %jit3A_92, %eq3A : i32
      %jit3A_94 = arith.constant 1 : i32
      %select_n3A_95 = arith.select %eq3A_93, %jit3A_94, %jit3A_92 : i32
      %rem3A_96 = arith.remsi %add3A_64, %select_n3A_95 : i32
      %ne3A_97 = arith.constant 0 : i32
      %ne3A_98 = arith.cmpi ne, %rem3A_96, %ne3A_97 : i32
      %lt3A_99 = arith.constant 0 : i32
      %lt3A_100 = arith.cmpi slt, %rem3A_96, %lt3A_99 : i32
      %lt3A_101 = arith.constant 0 : i32
      %lt3A_102 = arith.cmpi slt, %select_n3A_95, %lt3A_101 : i32
      %ne3A_103 = arith.xori %lt3A_100, %lt3A_102 : i1
      %and3A_104 = arith.andi %ne3A_103, %ne3A_98 : i1
      %add3A_105 = arith.addi %rem3A_96, %select_n3A_95 : i32
      %select_n3A_106 = arith.select %and3A_104, %add3A_105, %rem3A_96 : i32
      %mul3A_107 = arith.constant 8 : i32
      %mul3A_108 = arith.muli %arg0, %mul3A_107 : i32
      %add3A_109 = arith.addi %mul3A_108, %select_n3A : i32
      %mul3A_110 = arith.constant 24 : i32
      %mul3A_111 = arith.muli %select_n3A_106, %mul3A_110 : i32
      %add3A_112 = arith.addi %multiple_of3A, %mul3A_111 : i32
      %multiple_of3A_113 = tpu.assume_multiple %add3A_112, 8 : i32
      %dma_start3A_114 = arith.constant 0 : i32
      %dma_start3A_115 = tpu.memref_slice %arg4[%add3A_109, %multiple_of3A_113, %dma_start3A_114] : memref<16x1152x1024xf32, #tpu.memory_space<hbm>> -> memref<1x24x1024xf32, #tpu.memory_space<hbm>>
      %dma_start3A_116 = tpu.memref_squeeze %dma_start3A_115 : memref<1x24x1024xf32, #tpu.memory_space<hbm>> -> memref<24x1024xf32, #tpu.memory_space<hbm>>
      %dma_start3A_117 = arith.constant 0 : i32
      %dma_start3A_118 = tpu.memref_slice %arg4[%add3A_109, %multiple_of3A_113, %dma_start3A_117] : memref<16x1152x1024xf32, #tpu.memory_space<hbm>> -> memref<1x24x1024xf32, #tpu.memory_space<hbm>>
      %dma_start3A_119 = tpu.memref_squeeze %dma_start3A_118 : memref<1x24x1024xf32, #tpu.memory_space<hbm>> -> memref<24x1024xf32, #tpu.memory_space<hbm>>
      tpu.enqueue_dma source(%arg6 : memref<24x1024xf32, #tpu.memory_space<vmem>>) target(%dma_start3A_119 : memref<24x1024xf32, #tpu.memory_space<hbm>>) target_semaphore(%arg14 : memref<!tpu.dma_semaphore, #tpu.memory_space<semaphore_mem>>)
      %mul3A_120 = arith.constant 4 : i32
      %mul3A_121 = arith.muli %mul3A_120, %scan3A_61 : i32
      %add3A_122 = arith.constant 1 : i32
      %add3A_123 = arith.addi %mul3A_121, %add3A_122 : i32
      %add3A_124 = arith.constant 3 : i32
      %add3A_125 = arith.addi %add3A_123, %add3A_124 : i32
      %lt3A_126 = arith.constant 24 : i32
      %lt3A_127 = arith.cmpi slt, %add3A_125, %lt3A_126 : i32
      %convert_element_type3A_128 = arith.extui %lt3A_127 : i1 to i32
      %cond3A_129 = arith.constant 0 : i32
      %cond3A_130 = arith.cmpi ne, %convert_element_type3A_128, %cond3A_129 : i32
      scf.if %cond3A_130 {
        %ge3A = arith.constant 1 : i32
        %ge3A_333 = arith.cmpi sge, %add3A_123, %ge3A : i32
        %convert_element_type3A_334 = arith.extui %ge3A_333 : i1 to i32
        %cond3A_335 = arith.constant 0 : i32
        %cond3A_336 = arith.cmpi ne, %convert_element_type3A_334, %cond3A_335 : i32
        scf.if %cond3A_336 {
          %dma_wait3A_345 = arith.constant 0 : i32
          %dma_wait3A_346 = arith.constant 0 : i32
          %dma_wait3A_347 = arith.constant 0 : i32
          %dma_wait3A_348 = tpu.memref_slice %arg4[%dma_wait3A_345, %dma_wait3A_346, %dma_wait3A_347] : memref<16x1152x1024xf32, #tpu.memory_space<hbm>> -> memref<1x24x1024xf32, #tpu.memory_space<hbm>>
          %dma_wait3A_349 = tpu.memref_squeeze %dma_wait3A_348 : memref<1x24x1024xf32, #tpu.memory_space<hbm>> -> memref<24x1024xf32, #tpu.memory_space<hbm>>
          %dma_wait3A_350 = arith.constant 0 : i32
          %dma_wait3A_351 = arith.constant 0 : i32
          %dma_wait3A_352 = tpu.memref_slice %arg4[%dma_wait3A_345, %dma_wait3A_350, %dma_wait3A_351] : memref<16x1152x1024xf32, #tpu.memory_space<hbm>> -> memref<1x24x1024xf32, #tpu.memory_space<hbm>>
          %dma_wait3A_353 = tpu.memref_squeeze %dma_wait3A_352 : memref<1x24x1024xf32, #tpu.memory_space<hbm>> -> memref<24x1024xf32, #tpu.memory_space<hbm>>
          tpu.wait_dma2 semaphore(%arg14 : memref<!tpu.dma_semaphore, #tpu.memory_space<semaphore_mem>>) src(%arg6 : memref<24x1024xf32, #tpu.memory_space<vmem>>) dst(%dma_wait3A_353 : memref<24x1024xf32, #tpu.memory_space<hbm>>)
        } else {
        }
        %add3A_337 = arith.constant 3 : i32
        %add3A_338 = arith.addi %add3A_123, %add3A_337 : i32
        %dma_start3A_339 = arith.constant 0 : i32
        %dma_start3A_340 = tpu.memref_slice %arg5[%add3A_338, %dma_start3A_339] : memref<24x24xi32, #tpu.memory_space<vmem>> -> memref<1x24xi32, #tpu.memory_space<vmem>>
        %dma_start3A_341 = tpu.memref_squeeze %dma_start3A_340 : memref<1x24xi32, #tpu.memory_space<vmem>> -> memref<24xi32, #tpu.memory_space<vmem>>
        %dma_start3A_342 = arith.constant 0 : i32
        %dma_start3A_343 = arith.constant 0 : i32
        %dma_start3A_344 = tpu.memref_slice %arg3[%dma_start3A_342, %dma_start3A_343] : memref<19528x1024xf32, #tpu.memory_space<hbm>> -> memref<19528x1024xf32, #tpu.memory_space<hbm>>
        tpu.enqueue_indirect_dma source(%dma_start3A_344 : memref<19528x1024xf32, #tpu.memory_space<hbm>>) target(%arg6 : memref<24x1024xf32, #tpu.memory_space<vmem>>) offsets(%dma_start3A_341 : memref<24xi32, #tpu.memory_space<vmem>>) semaphore(%arg10 : memref<!tpu.dma_semaphore, #tpu.memory_space<semaphore_mem>>)
      } else {
      }
      %dma_wait3A_131 = arith.constant 0 : i32
      %dma_wait3A_132 = arith.constant 0 : i32
      %dma_wait3A_133 = tpu.memref_slice %arg5[%dma_wait3A_131, %dma_wait3A_132] : memref<24x24xi32, #tpu.memory_space<vmem>> -> memref<1x24xi32, #tpu.memory_space<vmem>>
      %dma_wait3A_134 = tpu.memref_squeeze %dma_wait3A_133 : memref<1x24xi32, #tpu.memory_space<vmem>> -> memref<24xi32, #tpu.memory_space<vmem>>
      %dma_wait3A_135 = arith.constant 0 : i32
      %dma_wait3A_136 = arith.constant 0 : i32
      %dma_wait3A_137 = tpu.memref_slice %arg3[%dma_wait3A_135, %dma_wait3A_136] : memref<19528x1024xf32, #tpu.memory_space<hbm>> -> memref<19528x1024xf32, #tpu.memory_space<hbm>>
      tpu.wait_indirect_dma semaphore(%arg11 : memref<!tpu.dma_semaphore, #tpu.memory_space<semaphore_mem>>) src(%dma_wait3A_137 : memref<19528x1024xf32, #tpu.memory_space<hbm>>) dst(%arg7 : memref<24x1024xf32, #tpu.memory_space<vmem>>)
      %jit3A_138 = arith.constant 3 : i32
      %div3A_139 = arith.divsi %add3A_123, %jit3A_138 : i32
      %sign3A_140 = arith.constant 0 : i32
      %sign3A_141 = arith.cmpi sgt, %add3A_123, %sign3A_140 : i32
      %sign3A_142 = arith.extui %sign3A_141 : i1 to i32
      %sign3A_143 = arith.constant 0 : i32
      %sign3A_144 = arith.cmpi slt, %add3A_123, %sign3A_143 : i32
      %sign3A_145 = arith.extui %sign3A_144 : i1 to i32
      %sign3A_146 = arith.subi %sign3A_142, %sign3A_145 : i32
      %sign3A_147 = arith.constant 0 : i32
      %sign3A_148 = arith.cmpi sgt, %jit3A_138, %sign3A_147 : i32
      %sign3A_149 = arith.extui %sign3A_148 : i1 to i32
      %sign3A_150 = arith.constant 0 : i32
      %sign3A_151 = arith.cmpi slt, %jit3A_138, %sign3A_150 : i32
      %sign3A_152 = arith.extui %sign3A_151 : i1 to i32
      %sign3A_153 = arith.subi %sign3A_149, %sign3A_152 : i32
      %ne3A_154 = arith.cmpi ne, %sign3A_146, %sign3A_153 : i32
      %rem3A_155 = arith.remsi %add3A_123, %jit3A_138 : i32
      %ne3A_156 = arith.constant 0 : i32
      %ne3A_157 = arith.cmpi ne, %rem3A_155, %ne3A_156 : i32
      %and3A_158 = arith.andi %ne3A_154, %ne3A_157 : i1
      %sub3A_159 = arith.constant 1 : i32
      %sub3A_160 = arith.subi %div3A_139, %sub3A_159 : i32
      %select_n3A_161 = arith.select %and3A_158, %sub3A_160, %div3A_139 : i32
      %jit3A_162 = arith.constant 3 : i32
      %eq3A_163 = arith.constant 0 : i32
      %eq3A_164 = arith.cmpi eq, %jit3A_162, %eq3A_163 : i32
      %jit3A_165 = arith.constant 1 : i32
      %select_n3A_166 = arith.select %eq3A_164, %jit3A_165, %jit3A_162 : i32
      %rem3A_167 = arith.remsi %add3A_123, %select_n3A_166 : i32
      %ne3A_168 = arith.constant 0 : i32
      %ne3A_169 = arith.cmpi ne, %rem3A_167, %ne3A_168 : i32
      %lt3A_170 = arith.constant 0 : i32
      %lt3A_171 = arith.cmpi slt, %rem3A_167, %lt3A_170 : i32
      %lt3A_172 = arith.constant 0 : i32
      %lt3A_173 = arith.cmpi slt, %select_n3A_166, %lt3A_172 : i32
      %ne3A_174 = arith.xori %lt3A_171, %lt3A_173 : i1
      %and3A_175 = arith.andi %ne3A_174, %ne3A_169 : i1
      %add3A_176 = arith.addi %rem3A_167, %select_n3A_166 : i32
      %select_n3A_177 = arith.select %and3A_175, %add3A_176, %rem3A_167 : i32
      %mul3A_178 = arith.constant 8 : i32
      %mul3A_179 = arith.muli %arg0, %mul3A_178 : i32
      %add3A_180 = arith.addi %mul3A_179, %select_n3A_161 : i32
      %mul3A_181 = arith.constant 24 : i32
      %mul3A_182 = arith.muli %select_n3A_177, %mul3A_181 : i32
      %add3A_183 = arith.addi %multiple_of3A, %mul3A_182 : i32
      %multiple_of3A_184 = tpu.assume_multiple %add3A_183, 8 : i32
      %dma_start3A_185 = arith.constant 0 : i32
      %dma_start3A_186 = tpu.memref_slice %arg4[%add3A_180, %multiple_of3A_184, %dma_start3A_185] : memref<16x1152x1024xf32, #tpu.memory_space<hbm>> -> memref<1x24x1024xf32, #tpu.memory_space<hbm>>
      %dma_start3A_187 = tpu.memref_squeeze %dma_start3A_186 : memref<1x24x1024xf32, #tpu.memory_space<hbm>> -> memref<24x1024xf32, #tpu.memory_space<hbm>>
      %dma_start3A_188 = arith.constant 0 : i32
      %dma_start3A_189 = tpu.memref_slice %arg4[%add3A_180, %multiple_of3A_184, %dma_start3A_188] : memref<16x1152x1024xf32, #tpu.memory_space<hbm>> -> memref<1x24x1024xf32, #tpu.memory_space<hbm>>
      %dma_start3A_190 = tpu.memref_squeeze %dma_start3A_189 : memref<1x24x1024xf32, #tpu.memory_space<hbm>> -> memref<24x1024xf32, #tpu.memory_space<hbm>>
      tpu.enqueue_dma source(%arg7 : memref<24x1024xf32, #tpu.memory_space<vmem>>) target(%dma_start3A_190 : memref<24x1024xf32, #tpu.memory_space<hbm>>) target_semaphore(%arg15 : memref<!tpu.dma_semaphore, #tpu.memory_space<semaphore_mem>>)
      %mul3A_191 = arith.constant 4 : i32
      %mul3A_192 = arith.muli %mul3A_191, %scan3A_61 : i32
      %add3A_193 = arith.constant 2 : i32
      %add3A_194 = arith.addi %mul3A_192, %add3A_193 : i32
      %add3A_195 = arith.constant 3 : i32
      %add3A_196 = arith.addi %add3A_194, %add3A_195 : i32
      %lt3A_197 = arith.constant 24 : i32
      %lt3A_198 = arith.cmpi slt, %add3A_196, %lt3A_197 : i32
      %convert_element_type3A_199 = arith.extui %lt3A_198 : i1 to i32
      %cond3A_200 = arith.constant 0 : i32
      %cond3A_201 = arith.cmpi ne, %convert_element_type3A_199, %cond3A_200 : i32
      scf.if %cond3A_201 {
        %ge3A = arith.constant 1 : i32
        %ge3A_333 = arith.cmpi sge, %add3A_194, %ge3A : i32
        %convert_element_type3A_334 = arith.extui %ge3A_333 : i1 to i32
        %cond3A_335 = arith.constant 0 : i32
        %cond3A_336 = arith.cmpi ne, %convert_element_type3A_334, %cond3A_335 : i32
        scf.if %cond3A_336 {
          %dma_wait3A_345 = arith.constant 0 : i32
          %dma_wait3A_346 = arith.constant 0 : i32
          %dma_wait3A_347 = arith.constant 0 : i32
          %dma_wait3A_348 = tpu.memref_slice %arg4[%dma_wait3A_345, %dma_wait3A_346, %dma_wait3A_347] : memref<16x1152x1024xf32, #tpu.memory_space<hbm>> -> memref<1x24x1024xf32, #tpu.memory_space<hbm>>
          %dma_wait3A_349 = tpu.memref_squeeze %dma_wait3A_348 : memref<1x24x1024xf32, #tpu.memory_space<hbm>> -> memref<24x1024xf32, #tpu.memory_space<hbm>>
          %dma_wait3A_350 = arith.constant 0 : i32
          %dma_wait3A_351 = arith.constant 0 : i32
          %dma_wait3A_352 = tpu.memref_slice %arg4[%dma_wait3A_345, %dma_wait3A_350, %dma_wait3A_351] : memref<16x1152x1024xf32, #tpu.memory_space<hbm>> -> memref<1x24x1024xf32, #tpu.memory_space<hbm>>
          %dma_wait3A_353 = tpu.memref_squeeze %dma_wait3A_352 : memref<1x24x1024xf32, #tpu.memory_space<hbm>> -> memref<24x1024xf32, #tpu.memory_space<hbm>>
          tpu.wait_dma2 semaphore(%arg15 : memref<!tpu.dma_semaphore, #tpu.memory_space<semaphore_mem>>) src(%arg7 : memref<24x1024xf32, #tpu.memory_space<vmem>>) dst(%dma_wait3A_353 : memref<24x1024xf32, #tpu.memory_space<hbm>>)
        } else {
        }
        %add3A_337 = arith.constant 3 : i32
        %add3A_338 = arith.addi %add3A_194, %add3A_337 : i32
        %dma_start3A_339 = arith.constant 0 : i32
        %dma_start3A_340 = tpu.memref_slice %arg5[%add3A_338, %dma_start3A_339] : memref<24x24xi32, #tpu.memory_space<vmem>> -> memref<1x24xi32, #tpu.memory_space<vmem>>
        %dma_start3A_341 = tpu.memref_squeeze %dma_start3A_340 : memref<1x24xi32, #tpu.memory_space<vmem>> -> memref<24xi32, #tpu.memory_space<vmem>>
        %dma_start3A_342 = arith.constant 0 : i32
        %dma_start3A_343 = arith.constant 0 : i32
        %dma_start3A_344 = tpu.memref_slice %arg3[%dma_start3A_342, %dma_start3A_343] : memref<19528x1024xf32, #tpu.memory_space<hbm>> -> memref<19528x1024xf32, #tpu.memory_space<hbm>>
        tpu.enqueue_indirect_dma source(%dma_start3A_344 : memref<19528x1024xf32, #tpu.memory_space<hbm>>) target(%arg7 : memref<24x1024xf32, #tpu.memory_space<vmem>>) offsets(%dma_start3A_341 : memref<24xi32, #tpu.memory_space<vmem>>) semaphore(%arg11 : memref<!tpu.dma_semaphore, #tpu.memory_space<semaphore_mem>>)
      } else {
      }
      %dma_wait3A_202 = arith.constant 0 : i32
      %dma_wait3A_203 = arith.constant 0 : i32
      %dma_wait3A_204 = tpu.memref_slice %arg5[%dma_wait3A_202, %dma_wait3A_203] : memref<24x24xi32, #tpu.memory_space<vmem>> -> memref<1x24xi32, #tpu.memory_space<vmem>>
      %dma_wait3A_205 = tpu.memref_squeeze %dma_wait3A_204 : memref<1x24xi32, #tpu.memory_space<vmem>> -> memref<24xi32, #tpu.memory_space<vmem>>
      %dma_wait3A_206 = arith.constant 0 : i32
      %dma_wait3A_207 = arith.constant 0 : i32
      %dma_wait3A_208 = tpu.memref_slice %arg3[%dma_wait3A_206, %dma_wait3A_207] : memref<19528x1024xf32, #tpu.memory_space<hbm>> -> memref<19528x1024xf32, #tpu.memory_space<hbm>>
      tpu.wait_indirect_dma semaphore(%arg12 : memref<!tpu.dma_semaphore, #tpu.memory_space<semaphore_mem>>) src(%dma_wait3A_208 : memref<19528x1024xf32, #tpu.memory_space<hbm>>) dst(%arg8 : memref<24x1024xf32, #tpu.memory_space<vmem>>)
      %jit3A_209 = arith.constant 3 : i32
      %div3A_210 = arith.divsi %add3A_194, %jit3A_209 : i32
      %sign3A_211 = arith.constant 0 : i32
      %sign3A_212 = arith.cmpi sgt, %add3A_194, %sign3A_211 : i32
      %sign3A_213 = arith.extui %sign3A_212 : i1 to i32
      %sign3A_214 = arith.constant 0 : i32
      %sign3A_215 = arith.cmpi slt, %add3A_194, %sign3A_214 : i32
      %sign3A_216 = arith.extui %sign3A_215 : i1 to i32
      %sign3A_217 = arith.subi %sign3A_213, %sign3A_216 : i32
      %sign3A_218 = arith.constant 0 : i32
      %sign3A_219 = arith.cmpi sgt, %jit3A_209, %sign3A_218 : i32
      %sign3A_220 = arith.extui %sign3A_219 : i1 to i32
      %sign3A_221 = arith.constant 0 : i32
      %sign3A_222 = arith.cmpi slt, %jit3A_209, %sign3A_221 : i32
      %sign3A_223 = arith.extui %sign3A_222 : i1 to i32
      %sign3A_224 = arith.subi %sign3A_220, %sign3A_223 : i32
      %ne3A_225 = arith.cmpi ne, %sign3A_217, %sign3A_224 : i32
      %rem3A_226 = arith.remsi %add3A_194, %jit3A_209 : i32
      %ne3A_227 = arith.constant 0 : i32
      %ne3A_228 = arith.cmpi ne, %rem3A_226, %ne3A_227 : i32
      %and3A_229 = arith.andi %ne3A_225, %ne3A_228 : i1
      %sub3A_230 = arith.constant 1 : i32
      %sub3A_231 = arith.subi %div3A_210, %sub3A_230 : i32
      %select_n3A_232 = arith.select %and3A_229, %sub3A_231, %div3A_210 : i32
      %jit3A_233 = arith.constant 3 : i32
      %eq3A_234 = arith.constant 0 : i32
      %eq3A_235 = arith.cmpi eq, %jit3A_233, %eq3A_234 : i32
      %jit3A_236 = arith.constant 1 : i32
      %select_n3A_237 = arith.select %eq3A_235, %jit3A_236, %jit3A_233 : i32
      %rem3A_238 = arith.remsi %add3A_194, %select_n3A_237 : i32
      %ne3A_239 = arith.constant 0 : i32
      %ne3A_240 = arith.cmpi ne, %rem3A_238, %ne3A_239 : i32
      %lt3A_241 = arith.constant 0 : i32
      %lt3A_242 = arith.cmpi slt, %rem3A_238, %lt3A_241 : i32
      %lt3A_243 = arith.constant 0 : i32
      %lt3A_244 = arith.cmpi slt, %select_n3A_237, %lt3A_243 : i32
      %ne3A_245 = arith.xori %lt3A_242, %lt3A_244 : i1
      %and3A_246 = arith.andi %ne3A_245, %ne3A_240 : i1
      %add3A_247 = arith.addi %rem3A_238, %select_n3A_237 : i32
      %select_n3A_248 = arith.select %and3A_246, %add3A_247, %rem3A_238 : i32
      %mul3A_249 = arith.constant 8 : i32
      %mul3A_250 = arith.muli %arg0, %mul3A_249 : i32
      %add3A_251 = arith.addi %mul3A_250, %select_n3A_232 : i32
      %mul3A_252 = arith.constant 24 : i32
      %mul3A_253 = arith.muli %select_n3A_248, %mul3A_252 : i32
      %add3A_254 = arith.addi %multiple_of3A, %mul3A_253 : i32
      %multiple_of3A_255 = tpu.assume_multiple %add3A_254, 8 : i32
      %dma_start3A_256 = arith.constant 0 : i32
      %dma_start3A_257 = tpu.memref_slice %arg4[%add3A_251, %multiple_of3A_255, %dma_start3A_256] : memref<16x1152x1024xf32, #tpu.memory_space<hbm>> -> memref<1x24x1024xf32, #tpu.memory_space<hbm>>
      %dma_start3A_258 = tpu.memref_squeeze %dma_start3A_257 : memref<1x24x1024xf32, #tpu.memory_space<hbm>> -> memref<24x1024xf32, #tpu.memory_space<hbm>>
      %dma_start3A_259 = arith.constant 0 : i32
      %dma_start3A_260 = tpu.memref_slice %arg4[%add3A_251, %multiple_of3A_255, %dma_start3A_259] : memref<16x1152x1024xf32, #tpu.memory_space<hbm>> -> memref<1x24x1024xf32, #tpu.memory_space<hbm>>
      %dma_start3A_261 = tpu.memref_squeeze %dma_start3A_260 : memref<1x24x1024xf32, #tpu.memory_space<hbm>> -> memref<24x1024xf32, #tpu.memory_space<hbm>>
      tpu.enqueue_dma source(%arg8 : memref<24x1024xf32, #tpu.memory_space<vmem>>) target(%dma_start3A_261 : memref<24x1024xf32, #tpu.memory_space<hbm>>) target_semaphore(%arg16 : memref<!tpu.dma_semaphore, #tpu.memory_space<semaphore_mem>>)
      %mul3A_262 = arith.constant 4 : i32
      %mul3A_263 = arith.muli %mul3A_262, %scan3A_61 : i32
      %add3A_264 = arith.constant 3 : i32
      %add3A_265 = arith.addi %mul3A_263, %add3A_264 : i32
      %add3A_266 = arith.constant 3 : i32
      %add3A_267 = arith.addi %add3A_265, %add3A_266 : i32
      %lt3A_268 = arith.constant 24 : i32
      %lt3A_269 = arith.cmpi slt, %add3A_267, %lt3A_268 : i32
      %convert_element_type3A_270 = arith.extui %lt3A_269 : i1 to i32
      %cond3A_271 = arith.constant 0 : i32
      %cond3A_272 = arith.cmpi ne, %convert_element_type3A_270, %cond3A_271 : i32
      scf.if %cond3A_272 {
        %ge3A = arith.constant 1 : i32
        %ge3A_333 = arith.cmpi sge, %add3A_265, %ge3A : i32
        %convert_element_type3A_334 = arith.extui %ge3A_333 : i1 to i32
        %cond3A_335 = arith.constant 0 : i32
        %cond3A_336 = arith.cmpi ne, %convert_element_type3A_334, %cond3A_335 : i32
        scf.if %cond3A_336 {
          %dma_wait3A_345 = arith.constant 0 : i32
          %dma_wait3A_346 = arith.constant 0 : i32
          %dma_wait3A_347 = arith.constant 0 : i32
          %dma_wait3A_348 = tpu.memref_slice %arg4[%dma_wait3A_345, %dma_wait3A_346, %dma_wait3A_347] : memref<16x1152x1024xf32, #tpu.memory_space<hbm>> -> memref<1x24x1024xf32, #tpu.memory_space<hbm>>
          %dma_wait3A_349 = tpu.memref_squeeze %dma_wait3A_348 : memref<1x24x1024xf32, #tpu.memory_space<hbm>> -> memref<24x1024xf32, #tpu.memory_space<hbm>>
          %dma_wait3A_350 = arith.constant 0 : i32
          %dma_wait3A_351 = arith.constant 0 : i32
          %dma_wait3A_352 = tpu.memref_slice %arg4[%dma_wait3A_345, %dma_wait3A_350, %dma_wait3A_351] : memref<16x1152x1024xf32, #tpu.memory_space<hbm>> -> memref<1x24x1024xf32, #tpu.memory_space<hbm>>
          %dma_wait3A_353 = tpu.memref_squeeze %dma_wait3A_352 : memref<1x24x1024xf32, #tpu.memory_space<hbm>> -> memref<24x1024xf32, #tpu.memory_space<hbm>>
          tpu.wait_dma2 semaphore(%arg16 : memref<!tpu.dma_semaphore, #tpu.memory_space<semaphore_mem>>) src(%arg8 : memref<24x1024xf32, #tpu.memory_space<vmem>>) dst(%dma_wait3A_353 : memref<24x1024xf32, #tpu.memory_space<hbm>>)
        } else {
        }
        %add3A_337 = arith.constant 3 : i32
        %add3A_338 = arith.addi %add3A_265, %add3A_337 : i32
        %dma_start3A_339 = arith.constant 0 : i32
        %dma_start3A_340 = tpu.memref_slice %arg5[%add3A_338, %dma_start3A_339] : memref<24x24xi32, #tpu.memory_space<vmem>> -> memref<1x24xi32, #tpu.memory_space<vmem>>
        %dma_start3A_341 = tpu.memref_squeeze %dma_start3A_340 : memref<1x24xi32, #tpu.memory_space<vmem>> -> memref<24xi32, #tpu.memory_space<vmem>>
        %dma_start3A_342 = arith.constant 0 : i32
        %dma_start3A_343 = arith.constant 0 : i32
        %dma_start3A_344 = tpu.memref_slice %arg3[%dma_start3A_342, %dma_start3A_343] : memref<19528x1024xf32, #tpu.memory_space<hbm>> -> memref<19528x1024xf32, #tpu.memory_space<hbm>>
        tpu.enqueue_indirect_dma source(%dma_start3A_344 : memref<19528x1024xf32, #tpu.memory_space<hbm>>) target(%arg8 : memref<24x1024xf32, #tpu.memory_space<vmem>>) offsets(%dma_start3A_341 : memref<24xi32, #tpu.memory_space<vmem>>) semaphore(%arg12 : memref<!tpu.dma_semaphore, #tpu.memory_space<semaphore_mem>>)
      } else {
      }
      %dma_wait3A_273 = arith.constant 0 : i32
      %dma_wait3A_274 = arith.constant 0 : i32
      %dma_wait3A_275 = tpu.memref_slice %arg5[%dma_wait3A_273, %dma_wait3A_274] : memref<24x24xi32, #tpu.memory_space<vmem>> -> memref<1x24xi32, #tpu.memory_space<vmem>>
      %dma_wait3A_276 = tpu.memref_squeeze %dma_wait3A_275 : memref<1x24xi32, #tpu.memory_space<vmem>> -> memref<24xi32, #tpu.memory_space<vmem>>
      %dma_wait3A_277 = arith.constant 0 : i32
      %dma_wait3A_278 = arith.constant 0 : i32
      %dma_wait3A_279 = tpu.memref_slice %arg3[%dma_wait3A_277, %dma_wait3A_278] : memref<19528x1024xf32, #tpu.memory_space<hbm>> -> memref<19528x1024xf32, #tpu.memory_space<hbm>>
      tpu.wait_indirect_dma semaphore(%arg13 : memref<!tpu.dma_semaphore, #tpu.memory_space<semaphore_mem>>) src(%dma_wait3A_279 : memref<19528x1024xf32, #tpu.memory_space<hbm>>) dst(%arg9 : memref<24x1024xf32, #tpu.memory_space<vmem>>)
      %jit3A_280 = arith.constant 3 : i32
      %div3A_281 = arith.divsi %add3A_265, %jit3A_280 : i32
      %sign3A_282 = arith.constant 0 : i32
      %sign3A_283 = arith.cmpi sgt, %add3A_265, %sign3A_282 : i32
      %sign3A_284 = arith.extui %sign3A_283 : i1 to i32
      %sign3A_285 = arith.constant 0 : i32
      %sign3A_286 = arith.cmpi slt, %add3A_265, %sign3A_285 : i32
      %sign3A_287 = arith.extui %sign3A_286 : i1 to i32
      %sign3A_288 = arith.subi %sign3A_284, %sign3A_287 : i32
      %sign3A_289 = arith.constant 0 : i32
      %sign3A_290 = arith.cmpi sgt, %jit3A_280, %sign3A_289 : i32
      %sign3A_291 = arith.extui %sign3A_290 : i1 to i32
      %sign3A_292 = arith.constant 0 : i32
      %sign3A_293 = arith.cmpi slt, %jit3A_280, %sign3A_292 : i32
      %sign3A_294 = arith.extui %sign3A_293 : i1 to i32
      %sign3A_295 = arith.subi %sign3A_291, %sign3A_294 : i32
      %ne3A_296 = arith.cmpi ne, %sign3A_288, %sign3A_295 : i32
      %rem3A_297 = arith.remsi %add3A_265, %jit3A_280 : i32
      %ne3A_298 = arith.constant 0 : i32
      %ne3A_299 = arith.cmpi ne, %rem3A_297, %ne3A_298 : i32
      %and3A_300 = arith.andi %ne3A_296, %ne3A_299 : i1
      %sub3A_301 = arith.constant 1 : i32
      %sub3A_302 = arith.subi %div3A_281, %sub3A_301 : i32
      %select_n3A_303 = arith.select %and3A_300, %sub3A_302, %div3A_281 : i32
      %jit3A_304 = arith.constant 3 : i32
      %eq3A_305 = arith.constant 0 : i32
      %eq3A_306 = arith.cmpi eq, %jit3A_304, %eq3A_305 : i32
      %jit3A_307 = arith.constant 1 : i32
      %select_n3A_308 = arith.select %eq3A_306, %jit3A_307, %jit3A_304 : i32
      %rem3A_309 = arith.remsi %add3A_265, %select_n3A_308 : i32
      %ne3A_310 = arith.constant 0 : i32
      %ne3A_311 = arith.cmpi ne, %rem3A_309, %ne3A_310 : i32
      %lt3A_312 = arith.constant 0 : i32
      %lt3A_313 = arith.cmpi slt, %rem3A_309, %lt3A_312 : i32
      %lt3A_314 = arith.constant 0 : i32
      %lt3A_315 = arith.cmpi slt, %select_n3A_308, %lt3A_314 : i32
      %ne3A_316 = arith.xori %lt3A_313, %lt3A_315 : i1
      %and3A_317 = arith.andi %ne3A_316, %ne3A_311 : i1
      %add3A_318 = arith.addi %rem3A_309, %select_n3A_308 : i32
      %select_n3A_319 = arith.select %and3A_317, %add3A_318, %rem3A_309 : i32
      %mul3A_320 = arith.constant 8 : i32
      %mul3A_321 = arith.muli %arg0, %mul3A_320 : i32
      %add3A_322 = arith.addi %mul3A_321, %select_n3A_303 : i32
      %mul3A_323 = arith.constant 24 : i32
      %mul3A_324 = arith.muli %select_n3A_319, %mul3A_323 : i32
      %add3A_325 = arith.addi %multiple_of3A, %mul3A_324 : i32
      %multiple_of3A_326 = tpu.assume_multiple %add3A_325, 8 : i32
      %dma_start3A_327 = arith.constant 0 : i32
      %dma_start3A_328 = tpu.memref_slice %arg4[%add3A_322, %multiple_of3A_326, %dma_start3A_327] : memref<16x1152x1024xf32, #tpu.memory_space<hbm>> -> memref<1x24x1024xf32, #tpu.memory_space<hbm>>
      %dma_start3A_329 = tpu.memref_squeeze %dma_start3A_328 : memref<1x24x1024xf32, #tpu.memory_space<hbm>> -> memref<24x1024xf32, #tpu.memory_space<hbm>>
      %dma_start3A_330 = arith.constant 0 : i32
      %dma_start3A_331 = tpu.memref_slice %arg4[%add3A_322, %multiple_of3A_326, %dma_start3A_330] : memref<16x1152x1024xf32, #tpu.memory_space<hbm>> -> memref<1x24x1024xf32, #tpu.memory_space<hbm>>
      %dma_start3A_332 = tpu.memref_squeeze %dma_start3A_331 : memref<1x24x1024xf32, #tpu.memory_space<hbm>> -> memref<24x1024xf32, #tpu.memory_space<hbm>>
      tpu.enqueue_dma source(%arg9 : memref<24x1024xf32, #tpu.memory_space<vmem>>) target(%dma_start3A_332 : memref<24x1024xf32, #tpu.memory_space<hbm>>) target_semaphore(%arg17 : memref<!tpu.dma_semaphore, #tpu.memory_space<semaphore_mem>>)
    }
    %scan3A_25 = arith.constant 6 : i32
    %dma_wait3A = arith.constant 0 : i32
    %dma_wait3A_26 = arith.constant 0 : i32
    %dma_wait3A_27 = arith.constant 0 : i32
    %dma_wait3A_28 = tpu.memref_slice %arg4[%dma_wait3A, %dma_wait3A_26, %dma_wait3A_27] : memref<16x1152x1024xf32, #tpu.memory_space<hbm>> -> memref<1x24x1024xf32, #tpu.memory_space<hbm>>
    %dma_wait3A_29 = tpu.memref_squeeze %dma_wait3A_28 : memref<1x24x1024xf32, #tpu.memory_space<hbm>> -> memref<24x1024xf32, #tpu.memory_space<hbm>>
    %dma_wait3A_30 = arith.constant 0 : i32
    %dma_wait3A_31 = arith.constant 0 : i32
    %dma_wait3A_32 = tpu.memref_slice %arg4[%dma_wait3A, %dma_wait3A_30, %dma_wait3A_31] : memref<16x1152x1024xf32, #tpu.memory_space<hbm>> -> memref<1x24x1024xf32, #tpu.memory_space<hbm>>
    %dma_wait3A_33 = tpu.memref_squeeze %dma_wait3A_32 : memref<1x24x1024xf32, #tpu.memory_space<hbm>> -> memref<24x1024xf32, #tpu.memory_space<hbm>>
    tpu.wait_dma2 semaphore(%arg14 : memref<!tpu.dma_semaphore, #tpu.memory_space<semaphore_mem>>) src(%arg6 : memref<24x1024xf32, #tpu.memory_space<vmem>>) dst(%dma_wait3A_33 : memref<24x1024xf32, #tpu.memory_space<hbm>>)
    %dma_wait3A_34 = arith.constant 0 : i32
    %dma_wait3A_35 = arith.constant 0 : i32
    %dma_wait3A_36 = arith.constant 0 : i32
    %dma_wait3A_37 = tpu.memref_slice %arg4[%dma_wait3A_34, %dma_wait3A_35, %dma_wait3A_36] : memref<16x1152x1024xf32, #tpu.memory_space<hbm>> -> memref<1x24x1024xf32, #tpu.memory_space<hbm>>
    %dma_wait3A_38 = tpu.memref_squeeze %dma_wait3A_37 : memref<1x24x1024xf32, #tpu.memory_space<hbm>> -> memref<24x1024xf32, #tpu.memory_space<hbm>>
    %dma_wait3A_39 = arith.constant 0 : i32
    %dma_wait3A_40 = arith.constant 0 : i32
    %dma_wait3A_41 = tpu.memref_slice %arg4[%dma_wait3A_34, %dma_wait3A_39, %dma_wait3A_40] : memref<16x1152x1024xf32, #tpu.memory_space<hbm>> -> memref<1x24x1024xf32, #tpu.memory_space<hbm>>
    %dma_wait3A_42 = tpu.memref_squeeze %dma_wait3A_41 : memref<1x24x1024xf32, #tpu.memory_space<hbm>> -> memref<24x1024xf32, #tpu.memory_space<hbm>>
    tpu.wait_dma2 semaphore(%arg15 : memref<!tpu.dma_semaphore, #tpu.memory_space<semaphore_mem>>) src(%arg7 : memref<24x1024xf32, #tpu.memory_space<vmem>>) dst(%dma_wait3A_42 : memref<24x1024xf32, #tpu.memory_space<hbm>>)
    %dma_wait3A_43 = arith.constant 0 : i32
    %dma_wait3A_44 = arith.constant 0 : i32
    %dma_wait3A_45 = arith.constant 0 : i32
    %dma_wait3A_46 = tpu.memref_slice %arg4[%dma_wait3A_43, %dma_wait3A_44, %dma_wait3A_45] : memref<16x1152x1024xf32, #tpu.memory_space<hbm>> -> memref<1x24x1024xf32, #tpu.memory_space<hbm>>
    %dma_wait3A_47 = tpu.memref_squeeze %dma_wait3A_46 : memref<1x24x1024xf32, #tpu.memory_space<hbm>> -> memref<24x1024xf32, #tpu.memory_space<hbm>>
    %dma_wait3A_48 = arith.constant 0 : i32
    %dma_wait3A_49 = arith.constant 0 : i32
    %dma_wait3A_50 = tpu.memref_slice %arg4[%dma_wait3A_43, %dma_wait3A_48, %dma_wait3A_49] : memref<16x1152x1024xf32, #tpu.memory_space<hbm>> -> memref<1x24x1024xf32, #tpu.memory_space<hbm>>
    %dma_wait3A_51 = tpu.memref_squeeze %dma_wait3A_50 : memref<1x24x1024xf32, #tpu.memory_space<hbm>> -> memref<24x1024xf32, #tpu.memory_space<hbm>>
    tpu.wait_dma2 semaphore(%arg16 : memref<!tpu.dma_semaphore, #tpu.memory_space<semaphore_mem>>) src(%arg8 : memref<24x1024xf32, #tpu.memory_space<vmem>>) dst(%dma_wait3A_51 : memref<24x1024xf32, #tpu.memory_space<hbm>>)
    %dma_wait3A_52 = arith.constant 0 : i32
    %dma_wait3A_53 = arith.constant 0 : i32
    %dma_wait3A_54 = arith.constant 0 : i32
    %dma_wait3A_55 = tpu.memref_slice %arg4[%dma_wait3A_52, %dma_wait3A_53, %dma_wait3A_54] : memref<16x1152x1024xf32, #tpu.memory_space<hbm>> -> memref<1x24x1024xf32, #tpu.memory_space<hbm>>
    %dma_wait3A_56 = tpu.memref_squeeze %dma_wait3A_55 : memref<1x24x1024xf32, #tpu.memory_space<hbm>> -> memref<24x1024xf32, #tpu.memory_space<hbm>>
    %dma_wait3A_57 = arith.constant 0 : i32
    %dma_wait3A_58 = arith.constant 0 : i32
    %dma_wait3A_59 = tpu.memref_slice %arg4[%dma_wait3A_52, %dma_wait3A_57, %dma_wait3A_58] : memref<16x1152x1024xf32, #tpu.memory_space<hbm>> -> memref<1x24x1024xf32, #tpu.memory_space<hbm>>
    %dma_wait3A_60 = tpu.memref_squeeze %dma_wait3A_59 : memref<1x24x1024xf32, #tpu.memory_space<hbm>> -> memref<24x1024xf32, #tpu.memory_space<hbm>>
    tpu.wait_dma2 semaphore(%arg17 : memref<!tpu.dma_semaphore, #tpu.memory_space<semaphore_mem>>) src(%arg9 : memref<24x1024xf32, #tpu.memory_space<vmem>>) dst(%dma_wait3A_60 : memref<24x1024xf32, #tpu.memory_space<hbm>>)
    return
  }
}

module attributes {stable_mosaic.version = 14 : i64} {
  func.func @_pos_body(%arg0: memref<32x1024xf32, #tpu.memory_space<vmem>>, %arg1: memref<32x1024xf32, #tpu.memory_space<vmem>>, %arg2: memref<128x1024xf32, #tpu.memory_space<vmem>>, %arg3: memref<1152x1024xf32, #tpu.memory_space<vmem>>) attributes {dimension_semantics = [], scalar_prefetch = 0 : i64, scratch_operands = 0 : i64, tpu.core_type = #tpu.core_type<tc>} {
    %get3A = arith.constant 0 : index
    %get3A_0 = arith.constant 0 : index
    %get3A_1 = vector.load %arg0[%get3A, %get3A_0] : memref<32x1024xf32, #tpu.memory_space<vmem>>, vector<32x1024xf32>
    %broadcast_in_dim3A = vector.shape_cast %get3A_1 : vector<32x1024xf32> to vector<32x1x1024xf32>
    %broadcast_in_dim3A_2 = vector.shape_cast %broadcast_in_dim3A : vector<32x1x1024xf32> to vector<32x1x1024xf32>
    %broadcast_in_dim3A_3 = vector.broadcast %broadcast_in_dim3A_2 : vector<32x1x1024xf32> to vector<32x32x1024xf32>
    %get3A_4 = arith.constant 0 : index
    %get3A_5 = arith.constant 0 : index
    %get3A_6 = vector.load %arg1[%get3A_4, %get3A_5] : memref<32x1024xf32, #tpu.memory_space<vmem>>, vector<32x1024xf32>
    %broadcast_in_dim3A_7 = vector.shape_cast %get3A_6 : vector<32x1024xf32> to vector<1x32x1024xf32>
    %broadcast_in_dim3A_8 = vector.shape_cast %broadcast_in_dim3A_7 : vector<1x32x1024xf32> to vector<1x32x1024xf32>
    %broadcast_in_dim3A_9 = vector.broadcast %broadcast_in_dim3A_8 : vector<1x32x1024xf32> to vector<32x32x1024xf32>
    %add3A = arith.addf %broadcast_in_dim3A_3, %broadcast_in_dim3A_9 : vector<32x32x1024xf32>
    %reshape3A = vector.shape_cast %add3A : vector<32x32x1024xf32> to vector<1024x1024xf32>
    %swap3A = arith.constant 0 : index
    %swap3A_10 = arith.constant 0 : index
    %swap3A_11 = vector.load %arg3[%swap3A, %swap3A_10] : memref<1152x1024xf32, #tpu.memory_space<vmem>>, vector<1024x1024xf32>
    tpu.vector_store %arg3[%swap3A, %swap3A_10], %reshape3A {strides = array<i32>} : memref<1152x1024xf32, #tpu.memory_space<vmem>>, vector<1024x1024xf32>,
    %get3A_12 = arith.constant 0 : index
    %get3A_13 = arith.constant 0 : index
    %get3A_14 = vector.load %arg2[%get3A_12, %get3A_13] : memref<128x1024xf32, #tpu.memory_space<vmem>>, vector<128x1024xf32>
    %swap3A_15 = arith.constant 1024 : index
    %swap3A_16 = arith.constant 0 : index
    %swap3A_17 = vector.load %arg3[%swap3A_15, %swap3A_16] : memref<1152x1024xf32, #tpu.memory_space<vmem>>, vector<128x1024xf32>
    tpu.vector_store %arg3[%swap3A_15, %swap3A_16], %get3A_14 {strides = array<i32>} : memref<1152x1024xf32, #tpu.memory_space<vmem>>, vector<128x1024xf32>,
    return
  }
}

module attributes {stable_mosaic.version = 14 : i64} {
  func.func @_add_first_body(%arg0: i32, %arg1: memref<1x1152x1024xf32, #tpu.memory_space<vmem>>, %arg2: memref<1152x1024xf32, #tpu.memory_space<vmem>>, %arg3: memref<1x1152x1024xf32, #tpu.memory_space<vmem>>) attributes {dimension_semantics = [#tpu.dimension_semantics<arbitrary>], iteration_bounds = array<i64: 16>, scalar_prefetch = 0 : i64, scratch_operands = 0 : i64, tpu.core_type = #tpu.core_type<tc>, window_params = [{transform_indices = @transform_0, window_bounds = array<i64: 1, 1152, 1024>}, {pipeline_mode = #tpu.pipeline_mode<synchronous>, transform_indices = @transform_1, window_bounds = array<i64: 1152, 1024>}, {transform_indices = @transform_2, window_bounds = array<i64: 1, 1152, 1024>}]} {
    %get3A = arith.constant 0 : index
    %get3A_0 = arith.constant 0 : index
    %get3A_1 = arith.constant 0 : index
    %get3A_2 = vector.load %arg1[%get3A, %get3A_0, %get3A_1] : memref<1x1152x1024xf32, #tpu.memory_space<vmem>>, vector<1x1152x1024xf32>
    %get3A_3 = arith.constant 0 : index
    %get3A_4 = arith.constant 0 : index
    %get3A_5 = vector.load %arg2[%get3A_3, %get3A_4] : memref<1152x1024xf32, #tpu.memory_space<vmem>>, vector<1152x1024xf32>
    %broadcast_in_dim3A = vector.shape_cast %get3A_5 : vector<1152x1024xf32> to vector<1x1152x1024xf32>
    %add3A = arith.addf %get3A_2, %broadcast_in_dim3A : vector<1x1152x1024xf32>
    %swap3A = arith.constant 0 : index
    %swap3A_6 = arith.constant 0 : index
    %swap3A_7 = arith.constant 0 : index
    %swap3A_8 = vector.load %arg3[%swap3A, %swap3A_6, %swap3A_7] : memref<1x1152x1024xf32, #tpu.memory_space<vmem>>, vector<1x1152x1024xf32>
    tpu.vector_store %arg3[%swap3A, %swap3A_6, %swap3A_7], %add3A {strides = array<i32>} : memref<1x1152x1024xf32, #tpu.memory_space<vmem>>, vector<1x1152x1024xf32>,
    return
  }
  func.func @transform_0(%arg0: i32) -> (i32, i32, i32) {
    %c0_i32 = arith.constant 0 : i32
    %c0_i32_0 = arith.constant 0 : i32
    %c0_i32_1 = arith.constant 0 : i32
    return %arg0, %c0_i32, %c0_i32_0 : i32, i32, i32
  }
  func.func @transform_1(%arg0: i32) -> (i32, i32) {
    %c0_i32 = arith.constant 0 : i32
    %c0_i32_0 = arith.constant 0 : i32
    %c0_i32_1 = arith.constant 0 : i32
    return %c0_i32, %c0_i32_0 : i32, i32
  }
  func.func @transform_2(%arg0: i32) -> (i32, i32, i32) {
    %c0_i32 = arith.constant 0 : i32
    %c0_i32_0 = arith.constant 0 : i32
    %c0_i32_1 = arith.constant 0 : i32
    return %arg0, %c0_i32, %c0_i32_0 : i32, i32, i32
  }
}

module attributes {stable_mosaic.version = 14 : i64} {
  func.func @_add_next_body(%arg0: i32, %arg1: memref<32x1152x1024xf32, #tpu.memory_space<any>>, %arg2: memref<1x1152x1024xf32, #tpu.memory_space<vmem>>, %arg3: memref<1152x1024xf32, #tpu.memory_space<vmem>>, %arg4: memref<1x1152x1024xf32, #tpu.memory_space<vmem>>) attributes {dimension_semantics = [#tpu.dimension_semantics<arbitrary>], iteration_bounds = array<i64: 16>, scalar_prefetch = 0 : i64, scratch_operands = 0 : i64, tpu.core_type = #tpu.core_type<tc>, window_params = [{}, {transform_indices = @transform_1, window_bounds = array<i64: 1, 1152, 1024>}, {pipeline_mode = #tpu.pipeline_mode<synchronous>, transform_indices = @transform_2, window_bounds = array<i64: 1152, 1024>}, {transform_indices = @transform_3, window_bounds = array<i64: 1, 1152, 1024>}]} {
    %get3A = arith.constant 0 : index
    %get3A_0 = arith.constant 0 : index
    %get3A_1 = arith.constant 0 : index
    %get3A_2 = vector.load %arg2[%get3A, %get3A_0, %get3A_1] : memref<1x1152x1024xf32, #tpu.memory_space<vmem>>, vector<1x1152x1024xf32>
    %get3A_3 = arith.constant 0 : index
    %get3A_4 = arith.constant 0 : index
    %get3A_5 = vector.load %arg3[%get3A_3, %get3A_4] : memref<1152x1024xf32, #tpu.memory_space<vmem>>, vector<1152x1024xf32>
    %broadcast_in_dim3A = vector.shape_cast %get3A_5 : vector<1152x1024xf32> to vector<1x1152x1024xf32>
    %add3A = arith.addf %get3A_2, %broadcast_in_dim3A : vector<1x1152x1024xf32>
    %swap3A = arith.constant 0 : index
    %swap3A_6 = arith.constant 0 : index
    %swap3A_7 = arith.constant 0 : index
    %swap3A_8 = vector.load %arg4[%swap3A, %swap3A_6, %swap3A_7] : memref<1x1152x1024xf32, #tpu.memory_space<vmem>>, vector<1x1152x1024xf32>
    tpu.vector_store %arg4[%swap3A, %swap3A_6, %swap3A_7], %add3A {strides = array<i32>} : memref<1x1152x1024xf32, #tpu.memory_space<vmem>>, vector<1x1152x1024xf32>,
    return
  }
  func.func @transform_1(%arg0: i32) -> (i32, i32, i32) {
    %c0_i32 = arith.constant 0 : i32
    %c0_i32_0 = arith.constant 0 : i32
    %c0_i32_1 = arith.constant 0 : i32
    return %arg0, %c0_i32, %c0_i32_0 : i32, i32, i32
  }
  func.func @transform_2(%arg0: i32) -> (i32, i32) {
    %c0_i32 = arith.constant 0 : i32
    %c0_i32_0 = arith.constant 0 : i32
    %c0_i32_1 = arith.constant 0 : i32
    return %c0_i32, %c0_i32_0 : i32, i32
  }
  func.func @transform_3(%arg0: i32) -> (i32, i32, i32) {
    %add3A = arith.constant 16 : i32
    %add3A_0 = arith.addi %add3A, %arg0 : i32
    %c0_i32 = arith.constant 0 : i32
    %c0_i32_1 = arith.constant 0 : i32
    %c0_i32_2 = arith.constant 0 : i32
    return %add3A_0, %c0_i32, %c0_i32_1 : i32, i32, i32
  }
}

</mosaic_0001>

<sc_bundles>
// kernel: kernel.10.cloned.1.call-start
scs
__scs_entry_jumppad:
0x0: {  	(pc) =	sbr.rel $0x88, $3  }
0x1: {  	(tag) =	ssettag $0x0;
	lr =	simm.s32 $0x1  }
0x2: {  	[smem:$0x3F9C] =	sst lr;
	_ =	strace $0xD0000000  }
0x3: {  	_ = 	snop  }
0x4: {  	_ = 	snop  }
0x5: {  	_ = 	snop  }
0x6: {  	_ = 	snop  }
0x7: {  	_ = 	snop  }
__scs_overlays_trampoline_lowered:
0x8: {  	[smem:$0x3FAB] =	sst s0  }
0x9: {  	[smem:$0x3FAC] =	sst s1  }
0xa: {  	[smem:$0x3FAD] =	sst s2  }
0xb: {  	[smem:$0x3FAE] =	sst s3  }
0xc: {  	[smem:$0x3FAF] =	sst s4  }
0xd: {  	[smem:$0x3FB0] =	sst s5  }
0xe: {  	[smem:$0x3FB1] =	sst s6  }
0xf: {  	[smem:$0x3FB2] =	sst s7  }
0x10: {  	[smem:$0x3FB3] =	sst s8  }
0x11: {  	[smem:$0x3FB4] =	sst s9;
	s0 =	simm.s32 @!p0 $0x0  }
0x12: {  	s1 =	sld [smem:$0x3F9A];
	s0 =	simm.s32 @p0 $0x1  }
0x13: {  	[smem:$0x3FB5] =	sst s0;
	s0 =	simm.s32 @!p1 $0x0  }
0x14: {  	s2 =	sld [smem:$0x3F99];
	s0 =	simm.s32 @p1 $0x1  }
0x15: {  	[smem:$0x3FB6] =	sst s0;
	s0 =	simm.s32 @!p2 $0x0  }
0x16: {  	s3 =	sld [smem:$0x3FDB];
	s0 =	simm.s32 @p2 $0x1  }
0x17: {  	s4 =	simm.s32 $0x1BF5;
	[smem:$0x3FB8] =	sst s0  }
0x18: {  	s0 =	sld [smem:$0x3F9B];
	_ =	swait.ge [sflag:s4], $0x0  }
0x19: {  	s7 =	sld [smem:$0x3F9C]  }
0x1a: {  	s8 =	sadd.s32 $0xFFFFE003, lr  }
0x1b: {  	s9 =	sadd.s32 $0xFFFFFEF7, lr;
	s5 =	simm.s32 $0xFFFFFFFF;
	p2 =	slt.u32 s8, $0xFFFFF086  }
0x1c: {  	p1 =	slt.u32 s9, $0xF7A;
	s5 =	simm.s32 @!p2 $0x0  }
0x1d: {  	s5 =	simm.s32 @p1 $0x1;
	p0 =	seq.s32 s7, s2  }
0x1e: {  	s7 =	smul.u32 @!p0 $0xF7A, s2;
	p2 =	seq.s32 @!p0 s5, $0x0  }
0x1f: {  	s9 =	smul.u32 $0xF7A, s1;
	s8 =	simm.s32 @!p0 $0x1BF5;
	p2 =	por !p2, p0  }
0x20: {  	[sflag:s8] =	ssyncset.s32 @!p0 $0xFFFFF086;
	s6 =	sadd.s32 @!p0 s3, s7;
	s7 =	simm.s32 @!p0 $0x108  }
0x21: {  	s3 =	sadd.s32 s3, s9;
	s6 =	sadd.s32 @!p0 $0x88, s6;
	s7 =	simm.s32 @p2 $0x1082  }
0x22: {  	[simem:s7], [sflag:s8] =	dma.local @!p0 [hbm:s6], $0xF7A  }
0x23: {  	s9 =	sor.u32 $0xD0000000, s2;
	s6 =	simm.s32 $0x108;
	_ =	swait.ge @!p0 [sflag:s8], $0x0  }
0x24: {  	s3 =	sadd.s32 $0x88, s3;
	s6 =	simm.s32 @!p1 $0x1082;
	[sflag:s4] =	ssyncset.s32 $0xFFFFF086  }
0x25: {  	[simem:s6], [sflag:s4] =	dma.local [hbm:s3], $0xF7A  }
0x26: {  	[smem:$0x3F9C] =	sst s1;
	(tag) =	ssettag s2;
	_ =	strace s9  }
0x27: {  	s1 =	sld [smem:$0x3FAC]  }
0x28: {  	s2 =	sld [smem:$0x3FAD]  }
0x29: {  	s4 =	sld [smem:$0x3FAF]  }
0x2a: {  	p0 =	seq.s32 s5, $0x0;
	s5 =	sld [smem:$0x3FB0]  }
0x2b: {  	s6 =	sld [smem:$0x3FB1]  }
0x2c: {  	s7 =	sld [smem:$0x3FB2]  }
0x2d: {  	s3 =	simm.s32 $0x108;
	s8 =	sld [smem:$0x3FB3]  }
0x2e: {  	s3 =	simm.s32 @!p0 $0x1082;
	s9 =	sld [smem:$0x3FB4]  }
0x2f: {  	lr =	sadd.s32 s0, s3;
	s0 =	sld [smem:$0x3FAB]  }
0x30: {  	s3 =	sld [smem:$0x3FAE]  }
0x31: {  	[smem:$0x3FB7] =	sst s10  }
0x32: {  	s10 =	sld [smem:$0x3FB5];
	_ =	sdelay $0x3  }
0x33: {  	p0 =	seq.s32 s10, $0x1;
	s10 =	sld [smem:$0x3FB7];
	_ =	sdelay $0x3  }
0x34: {  	[smem:$0x3FB7] =	sst s10  }
0x35: {  	s10 =	sld [smem:$0x3FB6];
	_ =	sdelay $0x3  }
0x36: {  	p1 =	seq.s32 s10, $0x1;
	s10 =	sld [smem:$0x3FB7];
	_ =	sdelay $0x3  }
0x37: {  	[smem:$0x3FB7] =	sst s10  }
0x38: {  	s10 =	sld [smem:$0x3FB8]  }
0x39: {  	_ = 	snop;
	(pc) =	sbr.ind lr, $3  }
0x3a: {  	_ = 	snop  }
0x3b: {  	_ = 	snop  }
0x3c: {  	p2 =	seq.s32 s10, $0x1;
	s10 =	sld [smem:$0x3FB7]  }
0x3d: {  	_ =	shalt  }
0x3e: {  	_ =	shalt  }
0x3f: {  	_ =	shalt  }
0x40: {  	_ =	shalt  }
0x41: {  	_ =	shalt  }
0x42: {  	_ =	shalt  }
0x43: {  	_ =	shalt  }
0x44: {  	_ =	shalt  }
0x45: {  	_ =	shalt  }
0x46: {  	_ =	shalt  }
0x47: {  	_ =	shalt  }
0x48: {  	_ =	shalt  }
0x49: {  	_ =	shalt  }
0x4a: {  	_ =	shalt  }
0x4b: {  	_ =	shalt  }
0x4c: {  	_ =	shalt  }
0x4d: {  	_ =	shalt  }
0x4e: {  	_ =	shalt  }
0x4f: {  	_ =	shalt  }
0x50: {  	_ =	shalt  }
0x51: {  	_ =	shalt  }
0x52: {  	_ =	shalt  }
0x53: {  	_ =	shalt  }
0x54: {  	_ =	shalt  }
0x55: {  	_ =	shalt  }
0x56: {  	_ =	shalt  }
0x57: {  	_ =	shalt  }
0x58: {  	_ =	shalt  }
0x59: {  	_ =	shalt  }
0x5a: {  	_ =	shalt  }
0x5b: {  	_ =	shalt  }
0x5c: {  	_ =	shalt  }
0x5d: {  	_ =	shalt  }
0x5e: {  	_ =	shalt  }
0x5f: {  	_ =	shalt  }
0x60: {  	_ =	shalt  }
0x61: {  	_ =	shalt  }
0x62: {  	_ =	shalt  }
0x63: {  	_ =	shalt  }
0x64: {  	_ =	shalt  }
0x65: {  	_ =	shalt  }
0x66: {  	_ =	shalt  }
0x67: {  	_ =	shalt  }
0x68: {  	_ =	shalt  }
0x69: {  	_ =	shalt  }
0x6a: {  	_ =	shalt  }
0x6b: {  	_ =	shalt  }
0x6c: {  	_ =	shalt  }
0x6d: {  	_ =	shalt  }
0x6e: {  	_ =	shalt  }
0x6f: {  	_ =	shalt  }
0x70: {  	_ =	shalt  }
0x71: {  	_ =	shalt  }
0x72: {  	_ =	shalt  }
0x73: {  	_ =	shalt  }
0x74: {  	_ =	shalt  }
0x75: {  	_ =	shalt  }
0x76: {  	_ =	shalt  }
0x77: {  	_ =	shalt  }
0x78: {  	_ =	shalt  }
0x79: {  	_ =	shalt  }
0x7a: {  	_ =	shalt  }
0x7b: {  	_ =	shalt  }
0x7c: {  	_ =	shalt  }
0x7d: {  	_ =	shalt  }
0x7e: {  	_ =	shalt  }
0x7f: {  	_ =	shalt  }
0x80: {  	_ =	shalt  }
0x81: {  	_ =	shalt  }
0x82: {  	_ =	shalt  }
0x83: {  	_ =	shalt  }
0x84: {  	_ =	shalt  }
0x85: {  	_ =	shalt  }
0x86: {  	_ =	shalt  }
0x87: {  	_ =	shalt  }
.Lfunc_end0:
.L_simem_size_0:
called_computation.1_lowered:
.L_overlay_start_0:
0x88: {  	s2 =	sld [smem:$0x3FD9]  }
0x89: {  	s3 =	sld [smem:$0x3FFE];
	_ =	sdelay $0x1  }
0x8a: {  	s1 =	srdreg.scid  }
0x8b: {  	s0 =	sand.u32 $0x1, s1  }
0x8c: {  	s17 =	sshll.u32 s0, $0xA;
	s2 =	sadd.s32 s3, s2  }
0x8d: {  	s2 =	sadd.s32 s2, s17  }
0x8e: {  	[smem:$0x3FC3] =	sst s2  }
0x8f: {  	_ = 	snop  }
0x90: {  	s18 =	sld [smem:$0x3FC8];
	(tm) =	ssettm $0x1  }
0x91: {  	s19 =	sld [smem:$0x3FFB];
	_ =	sdelay $0x3  }
0x92: {  	_ =	strace s19  }
0x93: {  	s2 =	sld [smem:$0x3FFC];
	_ =	sdelay $0x3  }
0x94: {  	_ =	strace s2  }
0x95: {  	s2 =	sld [smem:$0x3FFD];
	_ =	sdelay $0x3  }
0x96: {  	_ =	strace s2  }
0x97: {  	_ =	strace $0x8FFFFFFF  }
0x98: {  	s20 =	sld [smem:$0x3FDB];
	_ =	sdelay $0x1  }
0x99: {  	s4 =	simm.s32 $_scs_section_size  }
0x9a: {  	s5 =	simm.s32 $_size__tile_overlayer_lowered;
	s6 =	simm.s32 $_tile_overlayer_lowered  }
0x9b: {  	s7 =	simm.s32 $0x1BFF;
	s21 =	sshll.u32 s6, $0x1;
	s4 =	sadd.s32 s4, s20  }
0x9c: {  	s22 =	simm.s32 $0x0;
	s5 =	sshll.u32 s5, $0x1;
	s6 =	sadd.s32 s21, s4  }
0x9d: {  	[timem:s22], [sflag:s7] =	dma.local [hbm:s6], s5  }
0x9e: {  	_ =	swait.ge [sflag:s7], s5  }
0x9f: {  	s5 =	ssub.s32 $0x0, s5;
	[sflag:s7] =	ssyncset.done $0x0  }
0xa0: {  	[sflag:s7] =	ssyncadd.s32 s5;
	_ =	sdelay $0x1  }
0xa1: {  	s23 =	simm.s32 $0x1B8B  }
0xa2: {  	_ =	swait.ge [sflag:s23], $0x1  }
0xa3: {  	[sflag:s23] =	ssyncset.done $0x0  }
0xa4: {  	[sflag:s23] =	ssyncadd.s32 $0xFFFFFFFF  }
0xa5: {  	s5 =	sld [smem:$0x0]  }
0xa6: {  	s6 =	sand.u32 $0xFFFFFFFE, s1  }
0xa7: {  	p0 =	sne.s32 s1, s6  }
0xa8: {  	s6 =	sshll.u32 @p0 s6, $0xE  }
0xa9: {  	s6 =	sadd.s32 @p0 $0x11B8D, s6;
	s7 =	sshll.u32 @p0 s5, $0x11  }
0xaa: {  	s6 =	sor.u32 @p0 s7, s6  }
0xab: {  	[sflag:s6] =	ssyncadd.remote.s32 @p0 $0x1;
	_ =	sdelay $0x1  }
0xac: {  	s6 =	simm.s32 @p0 $0x1B8D  }
0xad: {  	_ =	swait.eq @p0 [sflag:s6], $0x1  }
0xae: {  	[sflag:s6] =	ssyncadd.s32 @p0 $0xFFFFFFFF  }
0xaf: {  	s7 =	sshll.u32 @!p0 s1, $0xE  }
0xb0: {  	s7 =	sor.u32 @!p0 $0x4000, s7;
	s6 =	simm.s32 @!p0 $0x1B8D  }
0xb1: {  	s5 =	sshll.u32 @!p0 s5, $0x11;
	s7 =	sadd.s32 @!p0 $0x11B8D, s7;
	_ =	swait.eq @!p0 [sflag:s6], $0x1  }
0xb2: {  	s5 =	sor.u32 @!p0 s5, s7;
	[sflag:s6] =	ssyncadd.s32 @!p0 $0xFFFFFFFF  }
0xb3: {  	s25 =	simm.s32 $0x1B8E;
	s24 =	sld [smem:$0x3FFE];
	[sflag:s5] =	ssyncadd.remote.s32 @!p0 $0x1  }
0xb4: {  	s26 =	simm.s32 $execute0_lowered;
	[smem:$0x3FD2] =	sst s25  }
0xb5: {  	s6 =	sshll.u32 s26, $0x1;
	_ =	strace $0x80000049;
	[dreg:$0x1] =	wrdreg $0xFFFFFFFF  }
0xb6: {  	s28 =	simm.s32 $_size_execute0_lowered;
	s4 =	sadd.s32 s4, s6;
	[dreg:$0x0] =	wrdreg $0x0  }
0xb7: {  	s6 =	sshll.u32 s28, $0x1;
	[dreg:$0x2] =	wrdreg s4  }
0xb8: {  	[dreg:$0x3] =	wrdreg s6  }
0xb9: {  	[dreg:$0x4] =	wrdreg $0xC0  }
0xba: {  	_ =	task [dreg:s22], $0x5FFFF  }
0xbb: {  	[dreg:$0x1] =	wrdreg $0xFFFFFFFF  }
0xbc: {  	[dreg:$0x0] =	wrdreg $0x60  }
0xbd: {  	[dreg:$0x2] =	wrdreg s24  }
0xbe: {  	[dreg:$0x3] =	wrdreg s18  }
0xbf: {  	[dreg:$0x4] =	wrdreg $0xA  }
0xc0: {  	_ =	task.clear_ibuf [dreg:s22], $0x5FFFF;
	_ =	strace $0x90000049  }
0xc1: {  	s29 =	simm.s32 $0xA;
	_ =	strace $0x8000004B  }
0xc2: {  	_ =	swait.ge [sflag:s29], $0x1  }
0xc3: {  	[sflag:s29] =	ssyncadd.s32 $0xFFFFFFFF  }
0xc4: {  	_ =	strace $0x9000004B  }
0xc5: {  	_ =	sfence  }
0xc6: {  	s30 =	sld [smem:$0x0];
	_ =	sdelay $0x2  }
0xc7: {  	s31 =	sshll.u32 s1, $0xD;
	s1 =	sshrl.u32 s1, $0x2  }
0xc8: {  	s4 =	sand.u32 $0x4000, s31;
	s1 =	sadd.s32 s1, s30  }
0xc9: {  	s0 =	sor.u32 s4, s0;
	s1 =	sshll.u32 s1, $0x11  }
0xca: {  	s0 =	sor.u32 s1, s0  }
0xcb: {  	s0 =	sadd.s32 $0x8F2B, s0  }
0xcc: {  	[sflag:s0] =	ssyncadd.remote.s32 $0x1  }
0xcd: {  	_ =	sfence.sel $0xFFFF  }
0xce: {  	[dreg:$0x0] =	wrdreg $0xFFFFFFFF;
	(pc) =	sbr.abs _section_cstart, $3  }
0xcf: {  	[dreg:$0x1] =	wrdreg $0xFFFFFFFF  }
0xd0: {  	_ =	task.clear_ibuf [dreg:s22], $0x2FFFF;
	_ =	strace $0x9FFFFFFF  }
0xd1: {  	(tm) =	ssettm $0x7FFFFFFF  }
tec
execute0_lowered:
.L_overlay_start_1:
0x0: {  	(tag) =	ssettag $0x1  }
0x1: {  	s0 =	srdreg.scid  }
0x2: {  	s7 =	stileid.u32;
	s4 =	rddreg [dreg:$0x0]  }
0x3: {  	s2 =	rddreg [dreg:$0x1];
	s3 =	simm.s32 $0x0;
	s12 =	simm.s32 $0x9  }
0x4: {  	s13 =	simm.s32 $0xC00;
	s20 =	simm.s32 $0x13400;
	s21 =	simm.s32 $0x13C00  }
0x5: {  	s22 =	simm.s32 $0x14400;
	s23 =	simm.s32 $0x14C00;
	[smem:$0x7FF] =	sst s3  }
0x6: {  	s24 =	simm.s32 $0x15400;
	_ =	strace $0x8000004A;
	[dreg:$0x3] =	wrdreg s20  }
0x7: {  	s25 =	simm.s32 $0x15C00;
	s26 =	simm.s32 $0x16400;
	[dreg:$0x4] =	wrdreg s21  }
0x8: {  	s28 =	simm.s32 $0x16C00;
	s29 =	simm.s32 $0x17400;
	[dreg:$0x5] =	wrdreg s22  }
0x9: {  	s30 =	simm.s32 $0x17C00;
	s31 =	simm.s32 $0x18400;
	[dreg:$0x6] =	wrdreg s23  }
0xa: {  	s18 =	simm.s32 $0xCC00;
	s14 =	simm.s32 $0x2;
	[dreg:$0x7] =	wrdreg s24  }
0xb: {  	s15 =	simm.s32 $0x3;
	s16 =	simm.s32 $0x4;
	[dreg:$0x8] =	wrdreg s25  }
0xc: {  	s17 =	simm.s32 $0x5;
	s0 =	sand.u32 $0x1, s0;
	[dreg:$0x9] =	wrdreg s26  }
0xd: {  	s1 =	smul.u32 $0x1800, s7;
	s8 =	sadd.s32 $0x200, s2;
	[dreg:$0xa] =	wrdreg s28  }
0xe: {  	s9 =	sadd.s32 $0x300, s2;
	s5 =	smul.u32 $0xC00, s0;
	[dreg:$0xb] =	wrdreg s29  }
0xf: {  	s19 =	ssub.s32 $0x2, s0;
	s10 =	sshll.u32 s0, $0x3;
	[dreg:$0xc] =	wrdreg s30  }
0x10: {  	[dreg:$0xd] =	wrdreg s31;
	s25 =	simm.s32 $0x6C00;
	s0 =	simm.s32 $0x1  }
0x11: {  	s20 =	simm.s32 $0x7;
	s21 =	simm.s32 $0x8;
	s6 =	sshrl.u32 s19, $0x1  }
0x12: {  	s22 =	simm.s32 $0x0;
	s1 =	sadd.s32 s5, s1;
	s11 =	ssub.s32 s19, s6  }
0x13: {  	v2 =	vlaneseq.u32;
	s5 =	smul.u32 $0x48, s7;
	s7 =	sadd.s32 $0x100, s2;
	s1 =	sshrl.u32 s1, $0x3  }
0x14: {  	vm0 =	vmmov $0xffff;
	v1 =	vshrl.u32 v2, $0x3;
	s19 =	simm.s32 $0x6;
	s1 =	sadd.s32 s1, s4;
	s4 =	sadd.s32 $0x244C00, s4  }
0x15: {  	v0 =	vand.u32 $0x7, v2;
	v2 =	vor.u32 $0x8, v2;
	v1 =	vmul.u32 $0x8, v1;
	s11 =	smax.u32 s11, $0x1;
	s6 =	sadd.s32 $0x241C00, s1;
	s1 =	simm.s32 $0x12C00  }
.LBB2_1:
0x16: {  	[tilespmem:s3], [sflag:$0x9] =	stream.linear.gather [hbm4b:s6+s3], $0xC00, $0x38;
	[tilespmem:$0x18C00] =	vst v63  }
0x17: {  	_ =	swait.ge [sflag:s12], $0xC00  }
0x18: {  	[sflag:s12] =	ssyncset.done $0x0  }
0x19: {  	[sflag:s12] =	ssyncadd.s32 $0xFFFFF400  }
0x1a: {  	v3 =	vld [tilespmem:$0x0];
	_ =	sdelay $0x4  }
0x1b: {  	v4 =	vshll.u32 v3, $0x3  }
0x1c: {  	v3 =	vand.u32 $0x7, v3;
	v4 =	vand.u32 $0xFFFFFFC0, v4  }
0x1d: {  	v3 =	vor.u32 v3, v4  }
0x1e: {  	v4 =	vperm.xlane v3, v0;
	_ =	sdelay $0x1  }
0x1f: {  	v4 =	vadd.s32 v1, v4;
	_ =	sdelay $0x4  }
0x20: {  	[tilespmem:s13], [sflag:$0x1] =	stream.indirect_vreg.gather [hbm4b:s2+s3], $0x80, v4, vm0, $0xb8;
	[tilespmem:$0x18C00] =	vst v63  }
0x21: {  	s23 =	simm.s32 $0x1400;
	v3 =	vperm.xlane v3, v2  }
0x22: {  	[tilespmem:s23], [sflag:$0x1] =	stream.indirect_vreg.gather [hbm4b:s7+s3], $0x80, v4, vm0, $0xb8;
	[tilespmem:$0x18C00] =	vst v63  }
0x23: {  	s30 =	simm.s32 $0x1C00;
	v3 =	vadd.s32 v1, v3  }
0x24: {  	[tilespmem:s30], [sflag:$0x1] =	stream.indirect_vreg.gather [hbm4b:s8+s3], $0x80, v4, vm0, $0xb8;
	[tilespmem:$0x18C00] =	vst v63  }
0x25: {  	s31 =	simm.s32 $0x2400  }
0x26: {  	[tilespmem:s31], [sflag:$0x1] =	stream.indirect_vreg.gather [hbm4b:s9+s3], $0x80, v4, vm0, $0xb8;
	[tilespmem:$0x18C00] =	vst v63  }
0x27: {  	s24 =	simm.s32 $0x2C00  }
0x28: {  	[tilespmem:s24], [sflag:$0x1] =	stream.indirect_vreg.gather [hbm4b:s2+s3], $0x80, v3, vm0, $0xb8;
	[tilespmem:$0x18C00] =	vst v63  }
0x29: {  	s26 =	simm.s32 $0x3400  }
0x2a: {  	[tilespmem:s26], [sflag:$0x1] =	stream.indirect_vreg.gather [hbm4b:s7+s3], $0x80, v3, vm0, $0xb8;
	[tilespmem:$0x18C00] =	vst v63  }
0x2b: {  	s28 =	simm.s32 $0x3C00  }
0x2c: {  	[tilespmem:s28], [sflag:$0x1] =	stream.indirect_vreg.gather [hbm4b:s8+s3], $0x80, v3, vm0, $0xb8;
	[tilespmem:$0x18C00] =	vst v63  }
0x2d: {  	s29 =	simm.s32 $0x4400  }
0x2e: {  	[tilespmem:s29], [sflag:$0x1] =	stream.indirect_vreg.gather [hbm4b:s9+s3], $0x80, v3, vm0, $0xb8;
	[tilespmem:$0x18C00] =	vst v63  }
0x2f: {  	v3 =	vld.msk [tilespmem:$0x10], $0xff;
	_ =	sdelay $0x4  }
0x30: {  	v59 =	vshll.u32 v3, $0x3  }
0x31: {  	v3 =	vand.u32 $0x7, v3;
	v4 =	vand.u32 $0xFFFFFFC0, v59  }
0x32: {  	v3 =	vor.u32 v3, v4  }
0x33: {  	v3 =	vperm.xlane v3, v0;
	_ =	sdelay $0x1  }
0x34: {  	v3 =	vadd.s32 v1, v3;
	_ =	sdelay $0x3  }
0x35: {  	s30 =	simm.s32 $0x4C00  }
0x36: {  	[tilespmem:s30], [sflag:$0x1] =	stream.indirect_vreg.gather [hbm4b:s2+s3], $0x80, v3, vm0, $0xb8;
	[tilespmem:$0x18C00] =	vst v63  }
0x37: {  	s31 =	simm.s32 $0x5400  }
0x38: {  	[tilespmem:s31], [sflag:$0x1] =	stream.indirect_vreg.gather [hbm4b:s7+s3], $0x80, v3, vm0, $0xb8;
	[tilespmem:$0x18C00] =	vst v63  }
0x39: {  	s24 =	simm.s32 $0x5C00  }
0x3a: {  	[tilespmem:s24], [sflag:$0x1] =	stream.indirect_vreg.gather [hbm4b:s8+s3], $0x80, v3, vm0, $0xb8;
	[tilespmem:$0x18C00] =	vst v63  }
0x3b: {  	s26 =	simm.s32 $0x6400  }
0x3c: {  	[tilespmem:s26], [sflag:$0x1] =	stream.indirect_vreg.gather [hbm4b:s9+s3], $0x80, v3, vm0, $0xb8;
	[tilespmem:$0x18C00] =	vst v63  }
0x3d: {  	v3 =	vld [tilespmem:$0x80];
	_ =	sdelay $0x4  }
0x3e: {  	v60 =	vshll.u32 v3, $0x3  }
0x3f: {  	v3 =	vand.u32 $0x7, v3;
	v4 =	vand.u32 $0xFFFFFFC0, v60  }
0x40: {  	v3 =	vor.u32 v3, v4  }
0x41: {  	v4 =	vperm.xlane v3, v0;
	_ =	sdelay $0x1  }
0x42: {  	v4 =	vadd.s32 v1, v4;
	_ =	sdelay $0x4  }
0x43: {  	[tilespmem:s25], [sflag:$0x2] =	stream.indirect_vreg.gather [hbm4b:s2+s3], $0x80, v4, vm0, $0xb8;
	[tilespmem:$0x18C00] =	vst v63  }
0x44: {  	s28 =	simm.s32 $0x7400;
	v3 =	vperm.xlane v3, v2  }
0x45: {  	[tilespmem:s28], [sflag:$0x2] =	stream.indirect_vreg.gather [hbm4b:s7+s3], $0x80, v4, vm0, $0xb8;
	[tilespmem:$0x18C00] =	vst v63  }
0x46: {  	s29 =	simm.s32 $0x7C00;
	v3 =	vadd.s32 v1, v3  }
0x47: {  	[tilespmem:s29], [sflag:$0x2] =	stream.indirect_vreg.gather [hbm4b:s8+s3], $0x80, v4, vm0, $0xb8;
	[tilespmem:$0x18C00] =	vst v63  }
0x48: {  	s30 =	simm.s32 $0x8400  }
0x49: {  	[tilespmem:s30], [sflag:$0x2] =	stream.indirect_vreg.gather [hbm4b:s9+s3], $0x80, v4, vm0, $0xb8;
	[tilespmem:$0x18C00] =	vst v63  }
0x4a: {  	s31 =	simm.s32 $0x8C00  }
0x4b: {  	[tilespmem:s31], [sflag:$0x2] =	stream.indirect_vreg.gather [hbm4b:s2+s3], $0x80, v3, vm0, $0xb8;
	[tilespmem:$0x18C00] =	vst v63  }
0x4c: {  	s24 =	simm.s32 $0x9400  }
0x4d: {  	[tilespmem:s24], [sflag:$0x2] =	stream.indirect_vreg.gather [hbm4b:s7+s3], $0x80, v3, vm0, $0xb8;
	[tilespmem:$0x18C00] =	vst v63  }
0x4e: {  	s26 =	simm.s32 $0x9C00  }
0x4f: {  	[tilespmem:s26], [sflag:$0x2] =	stream.indirect_vreg.gather [hbm4b:s8+s3], $0x80, v3, vm0, $0xb8;
	[tilespmem:$0x18C00] =	vst v63  }
0x50: {  	s28 =	simm.s32 $0xA400  }
0x51: {  	[tilespmem:s28], [sflag:$0x2] =	stream.indirect_vreg.gather [hbm4b:s9+s3], $0x80, v3, vm0, $0xb8;
	[tilespmem:$0x18C00] =	vst v63  }
0x52: {  	v3 =	vld.msk [tilespmem:$0x90], $0xff;
	_ =	sdelay $0x4  }
0x53: {  	v61 =	vshll.u32 v3, $0x3  }
0x54: {  	v3 =	vand.u32 $0x7, v3;
	v4 =	vand.u32 $0xFFFFFFC0, v61  }
0x55: {  	v3 =	vor.u32 v3, v4  }
0x56: {  	v3 =	vperm.xlane v3, v0;
	_ =	sdelay $0x1  }
0x57: {  	v3 =	vadd.s32 v1, v3;
	_ =	sdelay $0x3  }
0x58: {  	s29 =	simm.s32 $0xAC00  }
0x59: {  	[tilespmem:s29], [sflag:$0x2] =	stream.indirect_vreg.gather [hbm4b:s2+s3], $0x80, v3, vm0, $0xb8;
	[tilespmem:$0x18C00] =	vst v63  }
0x5a: {  	s30 =	simm.s32 $0xB400  }
0x5b: {  	[tilespmem:s30], [sflag:$0x2] =	stream.indirect_vreg.gather [hbm4b:s7+s3], $0x80, v3, vm0, $0xb8;
	[tilespmem:$0x18C00] =	vst v63  }
0x5c: {  	s31 =	simm.s32 $0xBC00  }
0x5d: {  	[tilespmem:s31], [sflag:$0x2] =	stream.indirect_vreg.gather [hbm4b:s8+s3], $0x80, v3, vm0, $0xb8;
	[tilespmem:$0x18C00] =	vst v63  }
0x5e: {  	s24 =	simm.s32 $0xC400  }
0x5f: {  	[tilespmem:s24], [sflag:$0x2] =	stream.indirect_vreg.gather [hbm4b:s9+s3], $0x80, v3, vm0, $0xb8;
	[tilespmem:$0x18C00] =	vst v63  }
0x60: {  	v3 =	vld [tilespmem:$0x100];
	_ =	sdelay $0x4  }
0x61: {  	v62 =	vshll.u32 v3, $0x3  }
0x62: {  	v3 =	vand.u32 $0x7, v3;
	v4 =	vand.u32 $0xFFFFFFC0, v62  }
0x63: {  	v3 =	vor.u32 v3, v4  }
0x64: {  	v4 =	vperm.xlane v3, v0;
	_ =	sdelay $0x1  }
0x65: {  	v4 =	vadd.s32 v1, v4;
	_ =	sdelay $0x4  }
0x66: {  	[tilespmem:s18], [sflag:$0x3] =	stream.indirect_vreg.gather [hbm4b:s2+s3], $0x80, v4, vm0, $0xb8;
	[tilespmem:$0x18C00] =	vst v63  }
0x67: {  	s26 =	simm.s32 $0xD400;
	v3 =	vperm.xlane v3, v2  }
0x68: {  	[tilespmem:s26], [sflag:$0x3] =	stream.indirect_vreg.gather [hbm4b:s7+s3], $0x80, v4, vm0, $0xb8;
	[tilespmem:$0x18C00] =	vst v63  }
0x69: {  	s28 =	simm.s32 $0xDC00;
	v3 =	vadd.s32 v1, v3  }
0x6a: {  	[tilespmem:s28], [sflag:$0x3] =	stream.indirect_vreg.gather [hbm4b:s8+s3], $0x80, v4, vm0, $0xb8;
	[tilespmem:$0x18C00] =	vst v63  }
0x6b: {  	s29 =	simm.s32 $0xE400  }
0x6c: {  	[tilespmem:s29], [sflag:$0x3] =	stream.indirect_vreg.gather [hbm4b:s9+s3], $0x80, v4, vm0, $0xb8;
	[tilespmem:$0x18C00] =	vst v63  }
0x6d: {  	s30 =	simm.s32 $0xEC00  }
0x6e: {  	[tilespmem:s30], [sflag:$0x3] =	stream.indirect_vreg.gather [hbm4b:s2+s3], $0x80, v3, vm0, $0xb8;
	[tilespmem:$0x18C00] =	vst v63  }
0x6f: {  	s31 =	simm.s32 $0xF400  }
0x70: {  	[tilespmem:s31], [sflag:$0x3] =	stream.indirect_vreg.gather [hbm4b:s7+s3], $0x80, v3, vm0, $0xb8;
	[tilespmem:$0x18C00] =	vst v63  }
0x71: {  	s24 =	simm.s32 $0xFC00  }
0x72: {  	[tilespmem:s24], [sflag:$0x3] =	stream.indirect_vreg.gather [hbm4b:s8+s3], $0x80, v3, vm0, $0xb8;
	[tilespmem:$0x18C00] =	vst v63  }
0x73: {  	s26 =	simm.s32 $0x10400  }
0x74: {  	[tilespmem:s26], [sflag:$0x3] =	stream.indirect_vreg.gather [hbm4b:s9+s3], $0x80, v3, vm0, $0xb8;
	[tilespmem:$0x18C00] =	vst v63  }
0x75: {  	v3 =	vld.msk [tilespmem:$0x110], $0xff;
	_ =	sdelay $0x4  }
0x76: {  	v63 =	vshll.u32 v3, $0x3  }
0x77: {  	v3 =	vand.u32 $0x7, v3;
	v4 =	vand.u32 $0xFFFFFFC0, v63  }
0x78: {  	v3 =	vor.u32 v3, v4  }
0x79: {  	v3 =	vperm.xlane v3, v0;
	_ =	sdelay $0x1  }
0x7a: {  	v3 =	vadd.s32 v1, v3;
	_ =	sdelay $0x3  }
0x7b: {  	s28 =	simm.s32 $0x10C00  }
0x7c: {  	[tilespmem:s28], [sflag:$0x3] =	stream.indirect_vreg.gather [hbm4b:s2+s3], $0x80, v3, vm0, $0xb8;
	[tilespmem:$0x18C00] =	vst v63  }
0x7d: {  	s29 =	simm.s32 $0x11400  }
0x7e: {  	[tilespmem:s29], [sflag:$0x3] =	stream.indirect_vreg.gather [hbm4b:s7+s3], $0x80, v3, vm0, $0xb8;
	[tilespmem:$0x18C00] =	vst v63  }
0x7f: {  	s30 =	simm.s32 $0x11C00  }
0x80: {  	[tilespmem:s30], [sflag:$0x3] =	stream.indirect_vreg.gather [hbm4b:s8+s3], $0x80, v3, vm0, $0xb8;
	[tilespmem:$0x18C00] =	vst v63  }
0x81: {  	s23 =	simm.s32 $0x190;
	s31 =	simm.s32 $0x12400;
	s24 =	simm.s32 $0x0  }
0x82: {  	[tilespmem:s31], [sflag:$0x3] =	stream.indirect_vreg.gather [hbm4b:s9+s3], $0x80, v3, vm0, $0xb8;
	[tilespmem:$0x18C00] =	vst v63  }
.LBB2_2:
0x83: {  	p0 =	seq.s32 s24, $0x0  }
0x84: {  	s26 =	simm.s32 @!p0 $0x8  }
0x85: {  	_ =	swait.ge @!p0 [sflag:s26], $0x6000  }
0x86: {  	[sflag:s26] =	ssyncset.done @!p0 $0x0  }
0x87: {  	[sflag:s26] =	ssyncadd.s32 @!p0 $0xFFFFA000  }
0x88: {  	v3 =	vld [tilespmem:s23+$0xFFFFFFF0];
	_ =	sdelay $0x4  }
0x89: {  	v4 =	vshll.u32 v3, $0x3  }
0x8a: {  	v3 =	vand.u32 $0x7, v3;
	v4 =	vand.u32 $0xFFFFFFC0, v4  }
0x8b: {  	v3 =	vor.u32 v3, v4  }
0x8c: {  	v4 =	vperm.xlane v3, v0;
	_ =	sdelay $0x1  }
0x8d: {  	v4 =	vadd.s32 v1, v4;
	_ =	sdelay $0x4  }
0x8e: {  	[tilespmem:s1], [sflag:$0x4] =	stream.indirect_vreg.gather [hbm4b:s2+s3], $0x80, v4, vm0, $0xb8;
	[tilespmem:$0x18C00] =	vst v63  }
0x8f: {  	s29 =	rddreg [dreg:$0x3];
	v3 =	vperm.xlane v3, v2  }
0x90: {  	[tilespmem:s29], [sflag:$0x4] =	stream.indirect_vreg.gather [hbm4b:s7+s3], $0x80, v4, vm0, $0xb8;
	[tilespmem:$0x18C00] =	vst v63  }
0x91: {  	s28 =	rddreg [dreg:$0x4];
	v3 =	vadd.s32 v1, v3  }
0x92: {  	[tilespmem:s28], [sflag:$0x4] =	stream.indirect_vreg.gather [hbm4b:s8+s3], $0x80, v4, vm0, $0xb8;
	[tilespmem:$0x18C00] =	vst v63  }
0x93: {  	s30 =	rddreg [dreg:$0x5]  }
0x94: {  	[tilespmem:s30], [sflag:$0x4] =	stream.indirect_vreg.gather [hbm4b:s9+s3], $0x80, v4, vm0, $0xb8;
	[tilespmem:$0x18C00] =	vst v63  }
0x95: {  	s31 =	rddreg [dreg:$0x6]  }
0x96: {  	[tilespmem:s31], [sflag:$0x4] =	stream.indirect_vreg.gather [hbm4b:s2+s3], $0x80, v3, vm0, $0xb8;
	[tilespmem:$0x18C00] =	vst v63  }
0x97: {  	s29 =	rddreg [dreg:$0x7]  }
0x98: {  	[tilespmem:s29], [sflag:$0x4] =	stream.indirect_vreg.gather [hbm4b:s7+s3], $0x80, v3, vm0, $0xb8;
	[tilespmem:$0x18C00] =	vst v63  }
0x99: {  	s30 =	rddreg [dreg:$0x8]  }
0x9a: {  	[tilespmem:s30], [sflag:$0x4] =	stream.indirect_vreg.gather [hbm4b:s8+s3], $0x80, v3, vm0, $0xb8;
	[tilespmem:$0x18C00] =	vst v63  }
0x9b: {  	s31 =	rddreg [dreg:$0x9]  }
0x9c: {  	[tilespmem:s31], [sflag:$0x4] =	stream.indirect_vreg.gather [hbm4b:s9+s3], $0x80, v3, vm0, $0xb8;
	[tilespmem:$0x18C00] =	vst v63  }
0x9d: {  	v3 =	vld.msk [tilespmem:s23+$0x0], $0xff;
	_ =	sdelay $0x4  }
0x9e: {  	v63 =	vshll.u32 v3, $0x3  }
0x9f: {  	v3 =	vand.u32 $0x7, v3;
	v4 =	vand.u32 $0xFFFFFFC0, v63  }
0xa0: {  	v3 =	vor.u32 v3, v4  }
0xa1: {  	v3 =	vperm.xlane v3, v0;
	_ =	sdelay $0x1  }
0xa2: {  	v3 =	vadd.s32 v1, v3;
	_ =	sdelay $0x3  }
0xa3: {  	s29 =	rddreg [dreg:$0xa]  }
0xa4: {  	[tilespmem:s29], [sflag:$0x4] =	stream.indirect_vreg.gather [hbm4b:s2+s3], $0x80, v3, vm0, $0xb8;
	[tilespmem:$0x18C00] =	vst v63  }
0xa5: {  	s29 =	sand.u32 $0xFF, s24  }
0xa6: {  	s30 =	rddreg [dreg:$0xb];
	s28 =	smul.u32 $0xAB, s29  }
0xa7: {  	[tilespmem:s30], [sflag:$0x4] =	stream.indirect_vreg.gather [hbm4b:s7+s3], $0x80, v3, vm0, $0xb8;
	[tilespmem:$0x18C00] =	vst v63  }
0xa8: {  	s30 =	sshrl.u32 s28, $0x9  }
0xa9: {  	s31 =	rddreg [dreg:$0xc];
	s28 =	smul.u32 $0x3, s30  }
0xaa: {  	[tilespmem:s31], [sflag:$0x4] =	stream.indirect_vreg.gather [hbm4b:s8+s3], $0x80, v3, vm0, $0xb8;
	[tilespmem:$0x18C00] =	vst v63  }
0xab: {  	s28 =	ssub.s32 s24, s28  }
0xac: {  	s29 =	rddreg [dreg:$0xd];
	s28 =	smul.u32 $0x18, s28  }
0xad: {  	[tilespmem:s29], [sflag:$0x4] =	stream.indirect_vreg.gather [hbm4b:s9+s3], $0x80, v3, vm0, $0xb8;
	[tilespmem:$0x18C00] =	vst v63  }
0xae: {  	s26 =	sadd.s32 s30, s10;
	s28 =	sand.u32 $0xF8, s28  }
0xaf: {  	s26 =	smul.u32 $0x120000, s26;
	s28 =	sadd.s32 s28, s5  }
0xb0: {  	s28 =	sshll.u32 s28, $0xA  }
0xb1: {  	_ =	swait.ge [sflag:s0], $0x6000;
	s26 =	sadd.s32 s26, s28  }
0xb2: {  	[sflag:s0] =	ssyncset.done $0x0;
	s26 =	sshrl.u32 s26, $0x3  }
0xb3: {  	p0 =	seq.s32 s24, $0x14;
	[sflag:s0] =	ssyncadd.s32 $0xFFFFA000;
	s26 =	sadd.s32 s4, s26  }
0xb4: {  	[hbm4b:s26+s3] =	stream.linear.scatter [tilespmem:s13], [sflag:$0x5], $0x6000, $0x38;
	[tilespmem:$0x18C00] =	vst v63  }
0xb5: {  	s26 =	simm.s32 @!p0 $0x5  }
0xb6: {  	_ =	swait.ge @!p0 [sflag:s26], $0x6000  }
0xb7: {  	[sflag:s26] =	ssyncset.done @!p0 $0x0  }
0xb8: {  	[sflag:s26] =	ssyncadd.s32 @!p0 $0xFFFFA000  }
0xb9: {  	v3 =	vld @!p0 [tilespmem:s23+$0x70];
	_ =	sdelay $0x4  }
0xba: {  	v4 =	vshll.u32 @!p0 v3, $0x3  }
0xbb: {  	v5 =	vlaneseq.u32 @!p0;
	v3 =	vand.u32 @!p0 $0x7, v3;
	v4 =	vand.u32 @!p0 $0xFFFFFFC0, v4  }
0xbc: {  	v6 =	vor.u32 @!p0 v3, v4;
	v3 =	vand.u32 @!p0 $0x7, v5;
	v4 =	vshrl.u32 @!p0 v5, $0x3  }
0xbd: {  	v7 =	vperm.xlane @!p0 v6, v3;
	v4 =	vmul.u32 @!p0 $0x8, v4;
	_ =	sdelay $0x1  }
0xbe: {  	v7 =	vadd.s32 @!p0 v4, v7;
	_ =	sdelay $0x3  }
0xbf: {  	vm1 =	vmmov @!p0 $0xffff;
	s28 =	simm.s32 @!p0 $0xC00;
	s26 =	simm.s32 @!p0 $0x0  }
0xc0: {  	v5 =	vor.u32 @!p0 $0x8, v5;
	[tilespmem:s28], [sflag:$0x1] =	stream.indirect_vreg.gather @!p0 [hbm4b:s2+s26], $0x80, v7, vm1, $0xb8;
	[tilespmem:$0x18C00] =	vst v63  }
0xc1: {  	v6 =	vperm.xlane @!p0 v6, v5;
	s28 =	simm.s32 @!p0 $0x1400  }
0xc2: {  	[tilespmem:s28], [sflag:$0x1] =	stream.indirect_vreg.gather @!p0 [hbm4b:s7+s26], $0x80, v7, vm1, $0xb8;
	[tilespmem:$0x18C00] =	vst v63  }
0xc3: {  	v6 =	vadd.s32 @!p0 v4, v6;
	s28 =	simm.s32 @!p0 $0x1C00  }
0xc4: {  	[tilespmem:s28], [sflag:$0x1] =	stream.indirect_vreg.gather @!p0 [hbm4b:s8+s26], $0x80, v7, vm1, $0xb8;
	[tilespmem:$0x18C00] =	vst v63  }
0xc5: {  	s28 =	simm.s32 @!p0 $0x2400  }
0xc6: {  	[tilespmem:s28], [sflag:$0x1] =	stream.indirect_vreg.gather @!p0 [hbm4b:s9+s26], $0x80, v7, vm1, $0xb8;
	[tilespmem:$0x18C00] =	vst v63  }
0xc7: {  	s28 =	simm.s32 @!p0 $0x2C00  }
0xc8: {  	[tilespmem:s28], [sflag:$0x1] =	stream.indirect_vreg.gather @!p0 [hbm4b:s2+s26], $0x80, v6, vm1, $0xb8;
	[tilespmem:$0x18C00] =	vst v63  }
0xc9: {  	s28 =	simm.s32 @!p0 $0x3400  }
0xca: {  	[tilespmem:s28], [sflag:$0x1] =	stream.indirect_vreg.gather @!p0 [hbm4b:s7+s26], $0x80, v6, vm1, $0xb8;
	[tilespmem:$0x18C00] =	vst v63  }
0xcb: {  	s28 =	simm.s32 @!p0 $0x3C00  }
0xcc: {  	[tilespmem:s28], [sflag:$0x1] =	stream.indirect_vreg.gather @!p0 [hbm4b:s8+s26], $0x80, v6, vm1, $0xb8;
	[tilespmem:$0x18C00] =	vst v63  }
0xcd: {  	s28 =	simm.s32 @!p0 $0x4400  }
0xce: {  	[tilespmem:s28], [sflag:$0x1] =	stream.indirect_vreg.gather @!p0 [hbm4b:s9+s26], $0x80, v6, vm1, $0xb8;
	[tilespmem:$0x18C00] =	vst v63  }
0xcf: {  	v6 =	vld.msk @!p0 [tilespmem:s23+$0x80], $0xff;
	_ =	sdelay $0x4  }
0xd0: {  	v7 =	vshll.u32 @!p0 v6, $0x3  }
0xd1: {  	v6 =	vand.u32 @!p0 $0x7, v6;
	v7 =	vand.u32 @!p0 $0xFFFFFFC0, v7  }
0xd2: {  	v6 =	vor.u32 @!p0 v6, v7  }
0xd3: {  	v6 =	vperm.xlane @!p0 v6, v3;
	_ =	sdelay $0x1  }
0xd4: {  	v6 =	vadd.s32 @!p0 v4, v6;
	_ =	sdelay $0x3  }
0xd5: {  	s28 =	simm.s32 @!p0 $0x4C00  }
0xd6: {  	[tilespmem:s28], [sflag:$0x1] =	stream.indirect_vreg.gather @!p0 [hbm4b:s2+s26], $0x80, v6, vm1, $0xb8;
	[tilespmem:$0x18C00] =	vst v63  }
0xd7: {  	s28 =	sor.u32 $0x1, s24  }
0xd8: {  	s31 =	sand.u32 $0xFF, s28  }
0xd9: {  	s30 =	simm.s32 @!p0 $0x5400;
	s29 =	smul.u32 $0xAB, s31  }
0xda: {  	[tilespmem:s30], [sflag:$0x1] =	stream.indirect_vreg.gather @!p0 [hbm4b:s7+s26], $0x80, v6, vm1, $0xb8;
	[tilespmem:$0x18C00] =	vst v63  }
0xdb: {  	s29 =	sshrl.u32 s29, $0x9  }
0xdc: {  	s30 =	simm.s32 @!p0 $0x5C00;
	s31 =	smul.u32 $0x3, s29  }
0xdd: {  	[tilespmem:s30], [sflag:$0x1] =	stream.indirect_vreg.gather @!p0 [hbm4b:s8+s26], $0x80, v6, vm1, $0xb8;
	[tilespmem:$0x18C00] =	vst v63  }
0xde: {  	s28 =	ssub.s32 s28, s31  }
0xdf: {  	s30 =	simm.s32 @!p0 $0x6400;
	s28 =	smul.u32 $0x18, s28  }
0xe0: {  	[tilespmem:s30], [sflag:$0x1] =	stream.indirect_vreg.gather @!p0 [hbm4b:s9+s26], $0x80, v6, vm1, $0xb8;
	[tilespmem:$0x18C00] =	vst v63  }
0xe1: {  	s29 =	sadd.s32 s29, s10;
	s28 =	sand.u32 $0xF8, s28  }
0xe2: {  	s29 =	smul.u32 $0x120000, s29;
	s28 =	sadd.s32 s28, s5  }
0xe3: {  	s28 =	sshll.u32 s28, $0xA  }
0xe4: {  	_ =	swait.ge [sflag:s14], $0x6000;
	s28 =	sadd.s32 s29, s28  }
0xe5: {  	[sflag:s14] =	ssyncset.done $0x0;
	s28 =	sshrl.u32 s28, $0x3  }
0xe6: {  	[sflag:s14] =	ssyncadd.s32 $0xFFFFA000;
	s28 =	sadd.s32 s4, s28  }
0xe7: {  	[hbm4b:s28+s3] =	stream.linear.scatter [tilespmem:s25], [sflag:$0x6], $0x6000, $0x38;
	[tilespmem:$0x18C00] =	vst v63  }
0xe8: {  	s28 =	simm.s32 @!p0 $0x6  }
0xe9: {  	_ =	swait.ge @!p0 [sflag:s28], $0x6000  }
0xea: {  	[sflag:s28] =	ssyncset.done @!p0 $0x0  }
0xeb: {  	[sflag:s28] =	ssyncadd.s32 @!p0 $0xFFFFA000  }
0xec: {  	v6 =	vld @!p0 [tilespmem:s23+$0xF0];
	_ =	sdelay $0x4  }
0xed: {  	v7 =	vshll.u32 @!p0 v6, $0x3  }
0xee: {  	v6 =	vand.u32 @!p0 $0x7, v6;
	v7 =	vand.u32 @!p0 $0xFFFFFFC0, v7  }
0xef: {  	v6 =	vor.u32 @!p0 v6, v7  }
0xf0: {  	v7 =	vperm.xlane @!p0 v6, v3;
	_ =	sdelay $0x1  }
0xf1: {  	v7 =	vadd.s32 @!p0 v4, v7;
	_ =	sdelay $0x3  }
0xf2: {  	s28 =	simm.s32 @!p0 $0x6C00  }
0xf3: {  	[tilespmem:s28], [sflag:$0x2] =	stream.indirect_vreg.gather @!p0 [hbm4b:s2+s26], $0x80, v7, vm1, $0xb8;
	[tilespmem:$0x18C00] =	vst v63  }
0xf4: {  	v6 =	vperm.xlane @!p0 v6, v5;
	s28 =	simm.s32 @!p0 $0x7400  }
0xf5: {  	[tilespmem:s28], [sflag:$0x2] =	stream.indirect_vreg.gather @!p0 [hbm4b:s7+s26], $0x80, v7, vm1, $0xb8;
	[tilespmem:$0x18C00] =	vst v63  }
0xf6: {  	v6 =	vadd.s32 @!p0 v4, v6;
	s28 =	simm.s32 @!p0 $0x7C00  }
0xf7: {  	[tilespmem:s28], [sflag:$0x2] =	stream.indirect_vreg.gather @!p0 [hbm4b:s8+s26], $0x80, v7, vm1, $0xb8;
	[tilespmem:$0x18C00] =	vst v63  }
0xf8: {  	s28 =	simm.s32 @!p0 $0x8400  }
0xf9: {  	[tilespmem:s28], [sflag:$0x2] =	stream.indirect_vreg.gather @!p0 [hbm4b:s9+s26], $0x80, v7, vm1, $0xb8;
	[tilespmem:$0x18C00] =	vst v63  }
0xfa: {  	s28 =	simm.s32 @!p0 $0x8C00  }
0xfb: {  	[tilespmem:s28], [sflag:$0x2] =	stream.indirect_vreg.gather @!p0 [hbm4b:s2+s26], $0x80, v6, vm1, $0xb8;
	[tilespmem:$0x18C00] =	vst v63  }
0xfc: {  	s28 =	simm.s32 @!p0 $0x9400  }
0xfd: {  	[tilespmem:s28], [sflag:$0x2] =	stream.indirect_vreg.gather @!p0 [hbm4b:s7+s26], $0x80, v6, vm1, $0xb8;
	[tilespmem:$0x18C00] =	vst v63  }
0xfe: {  	s28 =	simm.s32 @!p0 $0x9C00  }
0xff: {  	[tilespmem:s28], [sflag:$0x2] =	stream.indirect_vreg.gather @!p0 [hbm4b:s8+s26], $0x80, v6, vm1, $0xb8;
	[tilespmem:$0x18C00] =	vst v63  }
0x100: {  	s28 =	simm.s32 @!p0 $0xA400  }
0x101: {  	[tilespmem:s28], [sflag:$0x2] =	stream.indirect_vreg.gather @!p0 [hbm4b:s9+s26], $0x80, v6, vm1, $0xb8;
	[tilespmem:$0x18C00] =	vst v63  }
0x102: {  	v6 =	vld.msk @!p0 [tilespmem:s23+$0x100], $0xff;
	_ =	sdelay $0x4  }
0x103: {  	v7 =	vshll.u32 @!p0 v6, $0x3  }
0x104: {  	v6 =	vand.u32 @!p0 $0x7, v6;
	v7 =	vand.u32 @!p0 $0xFFFFFFC0, v7  }
0x105: {  	v6 =	vor.u32 @!p0 v6, v7  }
0x106: {  	v6 =	vperm.xlane @!p0 v6, v3;
	_ =	sdelay $0x1  }
0x107: {  	v6 =	vadd.s32 @!p0 v4, v6;
	_ =	sdelay $0x3  }
0x108: {  	s28 =	simm.s32 @!p0 $0xAC00  }
0x109: {  	[tilespmem:s28], [sflag:$0x2] =	stream.indirect_vreg.gather @!p0 [hbm4b:s2+s26], $0x80, v6, vm1, $0xb8;
	[tilespmem:$0x18C00] =	vst v63  }
0x10a: {  	s28 =	sor.u32 $0x2, s24  }
0x10b: {  	s31 =	sand.u32 $0xFF, s28  }
0x10c: {  	s30 =	simm.s32 @!p0 $0xB400;
	s29 =	smul.u32 $0xAB, s31  }
0x10d: {  	[tilespmem:s30], [sflag:$0x2] =	stream.indirect_vreg.gather @!p0 [hbm4b:s7+s26], $0x80, v6, vm1, $0xb8;
	[tilespmem:$0x18C00] =	vst v63  }
0x10e: {  	s29 =	sshrl.u32 s29, $0x9  }
0x10f: {  	s30 =	simm.s32 @!p0 $0xBC00;
	s31 =	smul.u32 $0x3, s29  }
0x110: {  	[tilespmem:s30], [sflag:$0x2] =	stream.indirect_vreg.gather @!p0 [hbm4b:s8+s26], $0x80, v6, vm1, $0xb8;
	[tilespmem:$0x18C00] =	vst v63  }
0x111: {  	s28 =	ssub.s32 s28, s31  }
0x112: {  	s30 =	simm.s32 @!p0 $0xC400;
	s28 =	smul.u32 $0x18, s28  }
0x113: {  	[tilespmem:s30], [sflag:$0x2] =	stream.indirect_vreg.gather @!p0 [hbm4b:s9+s26], $0x80, v6, vm1, $0xb8;
	[tilespmem:$0x18C00] =	vst v63  }
0x114: {  	s29 =	sadd.s32 s29, s10;
	s28 =	sand.u32 $0xF8, s28  }
0x115: {  	s29 =	smul.u32 $0x120000, s29;
	s28 =	sadd.s32 s28, s5  }
0x116: {  	s28 =	sshll.u32 s28, $0xA  }
0x117: {  	_ =	swait.ge [sflag:s15], $0x6000;
	s28 =	sadd.s32 s29, s28  }
0x118: {  	[sflag:s15] =	ssyncset.done $0x0;
	s28 =	sshrl.u32 s28, $0x3  }
0x119: {  	[sflag:s15] =	ssyncadd.s32 $0xFFFFA000;
	s28 =	sadd.s32 s4, s28  }
0x11a: {  	[hbm4b:s28+s3] =	stream.linear.scatter [tilespmem:s18], [sflag:$0x7], $0x6000, $0x38;
	[tilespmem:$0x18C00] =	vst v63  }
0x11b: {  	s28 =	simm.s32 @!p0 $0x7  }
0x11c: {  	_ =	swait.ge @!p0 [sflag:s28], $0x6000  }
0x11d: {  	[sflag:s28] =	ssyncset.done @!p0 $0x0  }
0x11e: {  	[sflag:s28] =	ssyncadd.s32 @!p0 $0xFFFFA000  }
0x11f: {  	v6 =	vld @!p0 [tilespmem:s23+$0x170];
	_ =	sdelay $0x4  }
0x120: {  	v7 =	vshll.u32 @!p0 v6, $0x3  }
0x121: {  	v6 =	vand.u32 @!p0 $0x7, v6;
	v7 =	vand.u32 @!p0 $0xFFFFFFC0, v7  }
0x122: {  	v6 =	vor.u32 @!p0 v6, v7  }
0x123: {  	v7 =	vperm.xlane @!p0 v6, v3;
	_ =	sdelay $0x1  }
0x124: {  	v7 =	vadd.s32 @!p0 v4, v7;
	_ =	sdelay $0x3  }
0x125: {  	s28 =	simm.s32 @!p0 $0xCC00  }
0x126: {  	[tilespmem:s28], [sflag:$0x3] =	stream.indirect_vreg.gather @!p0 [hbm4b:s2+s26], $0x80, v7, vm1, $0xb8;
	[tilespmem:$0x18C00] =	vst v63  }
0x127: {  	v5 =	vperm.xlane @!p0 v6, v5;
	s28 =	simm.s32 @!p0 $0xD400  }
0x128: {  	[tilespmem:s28], [sflag:$0x3] =	stream.indirect_vreg.gather @!p0 [hbm4b:s7+s26], $0x80, v7, vm1, $0xb8;
	[tilespmem:$0x18C00] =	vst v63  }
0x129: {  	v5 =	vadd.s32 @!p0 v4, v5;
	s28 =	simm.s32 @!p0 $0xDC00  }
0x12a: {  	[tilespmem:s28], [sflag:$0x3] =	stream.indirect_vreg.gather @!p0 [hbm4b:s8+s26], $0x80, v7, vm1, $0xb8;
	[tilespmem:$0x18C00] =	vst v63  }
0x12b: {  	s28 =	simm.s32 @!p0 $0xE400  }
0x12c: {  	[tilespmem:s28], [sflag:$0x3] =	stream.indirect_vreg.gather @!p0 [hbm4b:s9+s26], $0x80, v7, vm1, $0xb8;
	[tilespmem:$0x18C00] =	vst v63  }
0x12d: {  	s28 =	simm.s32 @!p0 $0xEC00  }
0x12e: {  	[tilespmem:s28], [sflag:$0x3] =	stream.indirect_vreg.gather @!p0 [hbm4b:s2+s26], $0x80, v5, vm1, $0xb8;
	[tilespmem:$0x18C00] =	vst v63  }
0x12f: {  	s28 =	simm.s32 @!p0 $0xF400  }
0x130: {  	[tilespmem:s28], [sflag:$0x3] =	stream.indirect_vreg.gather @!p0 [hbm4b:s7+s26], $0x80, v5, vm1, $0xb8;
	[tilespmem:$0x18C00] =	vst v63  }
0x131: {  	s28 =	simm.s32 @!p0 $0xFC00  }
0x132: {  	[tilespmem:s28], [sflag:$0x3] =	stream.indirect_vreg.gather @!p0 [hbm4b:s8+s26], $0x80, v5, vm1, $0xb8;
	[tilespmem:$0x18C00] =	vst v63  }
0x133: {  	s28 =	simm.s32 @!p0 $0x10400  }
0x134: {  	[tilespmem:s28], [sflag:$0x3] =	stream.indirect_vreg.gather @!p0 [hbm4b:s9+s26], $0x80, v5, vm1, $0xb8;
	[tilespmem:$0x18C00] =	vst v63  }
0x135: {  	v5 =	vld.msk @!p0 [tilespmem:s23+$0x180], $0xff;
	_ =	sdelay $0x4  }
0x136: {  	v6 =	vshll.u32 @!p0 v5, $0x3  }
0x137: {  	v5 =	vand.u32 @!p0 $0x7, v5;
	v6 =	vand.u32 @!p0 $0xFFFFFFC0, v6  }
0x138: {  	v5 =	vor.u32 @!p0 v5, v6  }
0x139: {  	v3 =	vperm.xlane @!p0 v5, v3;
	_ =	sdelay $0x1  }
0x13a: {  	v3 =	vadd.s32 @!p0 v4, v3;
	_ =	sdelay $0x2  }
0x13b: {  	s28 =	sadd.s32 $0x3, s24  }
0x13c: {  	s29 =	simm.s32 @!p0 $0x10C00;
	s31 =	smul.u32 $0xAB, s28  }
0x13d: {  	[tilespmem:s29], [sflag:$0x3] =	stream.indirect_vreg.gather @!p0 [hbm4b:s2+s26], $0x80, v3, vm1, $0xb8;
	[tilespmem:$0x18C00] =	vst v63  }
0x13e: {  	s30 =	sshrl.u32 s31, $0x9;
	s29 =	simm.s32 @!p0 $0x11400  }
0x13f: {  	[tilespmem:s29], [sflag:$0x3] =	stream.indirect_vreg.gather @!p0 [hbm4b:s7+s26], $0x80, v3, vm1, $0xb8;
	[tilespmem:$0x18C00] =	vst v63  }
0x140: {  	s29 =	sand.u32 $0x7F, s30  }
0x141: {  	s30 =	simm.s32 @!p0 $0x11C00;
	s31 =	smul.u32 $0x3, s29  }
0x142: {  	[tilespmem:s30], [sflag:$0x3] =	stream.indirect_vreg.gather @!p0 [hbm4b:s8+s26], $0x80, v3, vm1, $0xb8;
	[tilespmem:$0x18C00] =	vst v63  }
0x143: {  	s28 =	ssub.s32 s28, s31  }
0x144: {  	s30 =	simm.s32 @!p0 $0x12400;
	s28 =	smul.u32 $0x18, s28  }
0x145: {  	[tilespmem:s30], [sflag:$0x3] =	stream.indirect_vreg.gather @!p0 [hbm4b:s9+s26], $0x80, v3, vm1, $0xb8;
	[tilespmem:$0x18C00] =	vst v63  }
0x146: {  	s24 =	sadd.s32 $0x4, s24;
	s31 =	sadd.s32 s29, s10;
	s28 =	sand.u32 $0xF8, s28  }
0x147: {  	s26 =	smul.u32 $0x120000, s31;
	p0 =	sne.s32 s24, $0x18;
	s28 =	sadd.s32 s28, s5  }
.Ltmp0:
0x148: {  	s28 =	sshll.u32 s28, $0xA;
	(pc) =	sbr.rel @p0 .LBB2_2-.Ltmp0, $4  }
0x149: {  	_ =	swait.ge [sflag:s16], $0x6000;
	s26 =	sadd.s32 s26, s28  }
0x14a: {  	[sflag:s16] =	ssyncset.done $0x0;
	s26 =	sshrl.u32 s26, $0x3  }
0x14b: {  	s23 =	sadd.s32 $0x200, s23;
	[sflag:s16] =	ssyncadd.s32 $0xFFFFA000;
	s26 =	sadd.s32 s4, s26  }
0x14c: {  	[hbm4b:s26+s3] =	stream.linear.scatter [tilespmem:s1], [sflag:$0x8], $0x6000, $0x38;
	[tilespmem:$0x18C00] =	vst v63  }
0x14d: {  	_ =	swait.ge [sflag:s17], $0x6000  }
0x14e: {  	[sflag:s17] =	ssyncset.done $0x0  }
0x14f: {  	[sflag:s17] =	ssyncadd.s32 $0xFFFFA000  }
0x150: {  	_ =	swait.ge [sflag:s19], $0x6000  }
0x151: {  	[sflag:s19] =	ssyncset.done $0x0  }
0x152: {  	s22 =	sadd.s32 $0x1, s22;
	[sflag:s19] =	ssyncadd.s32 $0xFFFFA000  }
0x153: {  	p0 =	sne.s32 s22, s11;
	_ =	swait.ge [sflag:s20], $0x6000  }
.Ltmp1:
0x154: {  	[sflag:s20] =	ssyncset.done $0x0;
	(pc) =	sbr.rel @p0 .LBB2_1-.Ltmp1, $4  }
0x155: {  	[sflag:s20] =	ssyncadd.s32 $0xFFFFA000  }
0x156: {  	_ =	swait.ge [sflag:s21], $0x6000  }
0x157: {  	[sflag:s21] =	ssyncset.done $0x0  }
0x158: {  	[sflag:s21] =	ssyncadd.s32 $0xFFFFA000  }
0x159: {  	_ =	sfence.sel $0x180000  }
0x15a: {  	[bflag:$0x0] =	sbarrier.arrive $0xFFFF  }
0x15b: {  	_ =	strace $0x9000004A  }
0x15c: {  	s0 =	stileid.u32;
	[bflag:$0x2] =	sbarrier.arrive $0xFFFF  }
0x15d: {  	p0 =	sne.s32 s0, $0x0;
	s0 =	rddreg [dreg:$0x2]  }
0x15e: {  	s0 =	sadd.s32 @!p0 $0x100000, s0  }
0x15f: {  	[sflag:s0] =	ssyncadd.tile.s32 @!p0 $0x1;
	_ =	shalt  }
.Lfunc_end2:
_tile_overlayer_lowered:
.L_overlay_start_2:
0x160: {  	(tag) =	ssettag $0x2  }
0x161: {  	s0 =	rddreg [dreg:$0x0];
	s2 =	stileid.u32  }
0x162: {  	s1 =	rddreg [dreg:$0x1];
	p0 =	sne.s32 s2, $0x0  }
0x163: {  	s3 =	rddreg [dreg:$0x2];
	[bflag:$0x3] =	sbarrier.arrive $0xFFFF;
	s2 =	simm.s32 @!p0 $0x1C09  }
0x164: {  	[timem:s3], [sflag:s2] =	dma.local @!p0 [hbm:s0], s1  }
0x165: {  	s0 =	simm.s32 @!p0 $0x9  }
0x166: {  	_ =	swait.ge @!p0 [sflag:s0], s1  }
0x167: {  	s1 =	ssub.s32 @!p0 $0x0, s1;
	[sflag:s0] =	ssyncset.done @!p0 $0x0  }
0x168: {  	[sflag:s0] =	ssyncadd.s32 @!p0 s1  }
0x169: {  	[bflag:$0x3] =	sbarrier.arrive $0xFFFF  }
0x16a: {  	_ =	shalt  }

// kernel: kernel.7.cloned.1.call-start
scs
__scs_entry_jumppad:
0x0: {  	(pc) =	sbr.rel $0x88, $3  }
0x1: {  	(tag) =	ssettag $0x0;
	lr =	simm.s32 $0x1  }
0x2: {  	[smem:$0x3F9C] =	sst lr;
	_ =	strace $0xD0000000  }
0x3: {  	_ = 	snop  }
0x4: {  	_ = 	snop  }
0x5: {  	_ = 	snop  }
0x6: {  	_ = 	snop  }
0x7: {  	_ = 	snop  }
__scs_overlays_trampoline_lowered:
0x8: {  	[smem:$0x3FAB] =	sst s0  }
0x9: {  	[smem:$0x3FAC] =	sst s1  }
0xa: {  	[smem:$0x3FAD] =	sst s2  }
0xb: {  	[smem:$0x3FAE] =	sst s3  }
0xc: {  	[smem:$0x3FAF] =	sst s4  }
0xd: {  	[smem:$0x3FB0] =	sst s5  }
0xe: {  	[smem:$0x3FB1] =	sst s6  }
0xf: {  	[smem:$0x3FB2] =	sst s7  }
0x10: {  	[smem:$0x3FB3] =	sst s8  }
0x11: {  	[smem:$0x3FB4] =	sst s9;
	s0 =	simm.s32 @!p0 $0x0  }
0x12: {  	s1 =	sld [smem:$0x3F9A];
	s0 =	simm.s32 @p0 $0x1  }
0x13: {  	[smem:$0x3FB5] =	sst s0;
	s0 =	simm.s32 @!p1 $0x0  }
0x14: {  	s2 =	sld [smem:$0x3F99];
	s0 =	simm.s32 @p1 $0x1  }
0x15: {  	[smem:$0x3FB6] =	sst s0;
	s0 =	simm.s32 @!p2 $0x0  }
0x16: {  	s3 =	sld [smem:$0x3FDB];
	s0 =	simm.s32 @p2 $0x1  }
0x17: {  	s4 =	simm.s32 $0x1BF5;
	[smem:$0x3FB8] =	sst s0  }
0x18: {  	s0 =	sld [smem:$0x3F9B];
	_ =	swait.ge [sflag:s4], $0x0  }
0x19: {  	s7 =	sld [smem:$0x3F9C]  }
0x1a: {  	s8 =	sadd.s32 $0xFFFFE003, lr  }
0x1b: {  	s9 =	sadd.s32 $0xFFFFFEF7, lr;
	s5 =	simm.s32 $0xFFFFFFFF;
	p2 =	slt.u32 s8, $0xFFFFF086  }
0x1c: {  	p1 =	slt.u32 s9, $0xF7A;
	s5 =	simm.s32 @!p2 $0x0  }
0x1d: {  	s5 =	simm.s32 @p1 $0x1;
	p0 =	seq.s32 s7, s2  }
0x1e: {  	s7 =	smul.u32 @!p0 $0xF7A, s2;
	p2 =	seq.s32 @!p0 s5, $0x0  }
0x1f: {  	s9 =	smul.u32 $0xF7A, s1;
	s8 =	simm.s32 @!p0 $0x1BF5;
	p2 =	por !p2, p0  }
0x20: {  	[sflag:s8] =	ssyncset.s32 @!p0 $0xFFFFF086;
	s6 =	sadd.s32 @!p0 s3, s7;
	s7 =	simm.s32 @!p0 $0x108  }
0x21: {  	s3 =	sadd.s32 s3, s9;
	s6 =	sadd.s32 @!p0 $0x88, s6;
	s7 =	simm.s32 @p2 $0x1082  }
0x22: {  	[simem:s7], [sflag:s8] =	dma.local @!p0 [hbm:s6], $0xF7A  }
0x23: {  	s9 =	sor.u32 $0xD0000000, s2;
	s6 =	simm.s32 $0x108;
	_ =	swait.ge @!p0 [sflag:s8], $0x0  }
0x24: {  	s3 =	sadd.s32 $0x88, s3;
	s6 =	simm.s32 @!p1 $0x1082;
	[sflag:s4] =	ssyncset.s32 $0xFFFFF086  }
0x25: {  	[simem:s6], [sflag:s4] =	dma.local [hbm:s3], $0xF7A  }
0x26: {  	[smem:$0x3F9C] =	sst s1;
	(tag) =	ssettag s2;
	_ =	strace s9  }
0x27: {  	s1 =	sld [smem:$0x3FAC]  }
0x28: {  	s2 =	sld [smem:$0x3FAD]  }
0x29: {  	s4 =	sld [smem:$0x3FAF]  }
0x2a: {  	p0 =	seq.s32 s5, $0x0;
	s5 =	sld [smem:$0x3FB0]  }
0x2b: {  	s6 =	sld [smem:$0x3FB1]  }
0x2c: {  	s7 =	sld [smem:$0x3FB2]  }
0x2d: {  	s3 =	simm.s32 $0x108;
	s8 =	sld [smem:$0x3FB3]  }
0x2e: {  	s3 =	simm.s32 @!p0 $0x1082;
	s9 =	sld [smem:$0x3FB4]  }
0x2f: {  	lr =	sadd.s32 s0, s3;
	s0 =	sld [smem:$0x3FAB]  }
0x30: {  	s3 =	sld [smem:$0x3FAE]  }
0x31: {  	[smem:$0x3FB7] =	sst s10  }
0x32: {  	s10 =	sld [smem:$0x3FB5];
	_ =	sdelay $0x3  }
0x33: {  	p0 =	seq.s32 s10, $0x1;
	s10 =	sld [smem:$0x3FB7];
	_ =	sdelay $0x3  }
0x34: {  	[smem:$0x3FB7] =	sst s10  }
0x35: {  	s10 =	sld [smem:$0x3FB6];
	_ =	sdelay $0x3  }
0x36: {  	p1 =	seq.s32 s10, $0x1;
	s10 =	sld [smem:$0x3FB7];
	_ =	sdelay $0x3  }
0x37: {  	[smem:$0x3FB7] =	sst s10  }
0x38: {  	s10 =	sld [smem:$0x3FB8]  }
0x39: {  	_ = 	snop;
	(pc) =	sbr.ind lr, $3  }
0x3a: {  	_ = 	snop  }
0x3b: {  	_ = 	snop  }
0x3c: {  	p2 =	seq.s32 s10, $0x1;
	s10 =	sld [smem:$0x3FB7]  }
0x3d: {  	_ =	shalt  }
0x3e: {  	_ =	shalt  }
0x3f: {  	_ =	shalt  }
0x40: {  	_ =	shalt  }
0x41: {  	_ =	shalt  }
0x42: {  	_ =	shalt  }
0x43: {  	_ =	shalt  }
0x44: {  	_ =	shalt  }
0x45: {  	_ =	shalt  }
0x46: {  	_ =	shalt  }
0x47: {  	_ =	shalt  }
0x48: {  	_ =	shalt  }
0x49: {  	_ =	shalt  }
0x4a: {  	_ =	shalt  }
0x4b: {  	_ =	shalt  }
0x4c: {  	_ =	shalt  }
0x4d: {  	_ =	shalt  }
0x4e: {  	_ =	shalt  }
0x4f: {  	_ =	shalt  }
0x50: {  	_ =	shalt  }
0x51: {  	_ =	shalt  }
0x52: {  	_ =	shalt  }
0x53: {  	_ =	shalt  }
0x54: {  	_ =	shalt  }
0x55: {  	_ =	shalt  }
0x56: {  	_ =	shalt  }
0x57: {  	_ =	shalt  }
0x58: {  	_ =	shalt  }
0x59: {  	_ =	shalt  }
0x5a: {  	_ =	shalt  }
0x5b: {  	_ =	shalt  }
0x5c: {  	_ =	shalt  }
0x5d: {  	_ =	shalt  }
0x5e: {  	_ =	shalt  }
0x5f: {  	_ =	shalt  }
0x60: {  	_ =	shalt  }
0x61: {  	_ =	shalt  }
0x62: {  	_ =	shalt  }
0x63: {  	_ =	shalt  }
0x64: {  	_ =	shalt  }
0x65: {  	_ =	shalt  }
0x66: {  	_ =	shalt  }
0x67: {  	_ =	shalt  }
0x68: {  	_ =	shalt  }
0x69: {  	_ =	shalt  }
0x6a: {  	_ =	shalt  }
0x6b: {  	_ =	shalt  }
0x6c: {  	_ =	shalt  }
0x6d: {  	_ =	shalt  }
0x6e: {  	_ =	shalt  }
0x6f: {  	_ =	shalt  }
0x70: {  	_ =	shalt  }
0x71: {  	_ =	shalt  }
0x72: {  	_ =	shalt  }
0x73: {  	_ =	shalt  }
0x74: {  	_ =	shalt  }
0x75: {  	_ =	shalt  }
0x76: {  	_ =	shalt  }
0x77: {  	_ =	shalt  }
0x78: {  	_ =	shalt  }
0x79: {  	_ =	shalt  }
0x7a: {  	_ =	shalt  }
0x7b: {  	_ =	shalt  }
0x7c: {  	_ =	shalt  }
0x7d: {  	_ =	shalt  }
0x7e: {  	_ =	shalt  }
0x7f: {  	_ =	shalt  }
0x80: {  	_ =	shalt  }
0x81: {  	_ =	shalt  }
0x82: {  	_ =	shalt  }
0x83: {  	_ =	shalt  }
0x84: {  	_ =	shalt  }
0x85: {  	_ =	shalt  }
0x86: {  	_ =	shalt  }
0x87: {  	_ =	shalt  }
.Lfunc_end0:
.L_simem_size_0:
called_computation_lowered:
.L_overlay_start_0:
0x88: {  	s2 =	sld [smem:$0x3FD9]  }
0x89: {  	s3 =	sld [smem:$0x3FFE];
	_ =	sdelay $0x1  }
0x8a: {  	s1 =	srdreg.scid  }
0x8b: {  	s0 =	sand.u32 $0x1, s1  }
0x8c: {  	s17 =	sshll.u32 s0, $0xA;
	s2 =	sadd.s32 s3, s2  }
0x8d: {  	s2 =	sadd.s32 s2, s17  }
0x8e: {  	[smem:$0x3FC3] =	sst s2  }
0x8f: {  	_ = 	snop  }
0x90: {  	s2 =	sld [smem:$0x3FC8]  }
0x91: {  	s18 =	sld [smem:$0x3FD0];
	(tm) =	ssettm $0x1  }
0x92: {  	s4 =	sld [smem:$0x3FFB];
	_ =	sdelay $0x3  }
0x93: {  	_ =	strace s4  }
0x94: {  	s4 =	sld [smem:$0x3FFC];
	_ =	sdelay $0x3  }
0x95: {  	_ =	strace s4  }
0x96: {  	s4 =	sld [smem:$0x3FFD];
	_ =	sdelay $0x3  }
0x97: {  	_ =	strace s4  }
0x98: {  	_ =	strace $0x8FFFFFFF  }
0x99: {  	s19 =	sld [smem:$0x3FDB];
	_ =	sdelay $0x1  }
0x9a: {  	s5 =	simm.s32 $_scs_section_size  }
0x9b: {  	s6 =	simm.s32 $_size__tile_overlayer_lowered;
	s7 =	simm.s32 $_tile_overlayer_lowered  }
0x9c: {  	s22 =	simm.s32 $0x1BFF;
	s21 =	sshll.u32 s7, $0x1;
	s4 =	sadd.s32 s5, s19  }
0x9d: {  	s8 =	simm.s32 $0x0;
	s20 =	sshll.u32 s6, $0x1;
	s6 =	sadd.s32 s21, s4  }
0x9e: {  	[timem:s8], [sflag:s22] =	dma.local [hbm:s6], s20  }
0x9f: {  	_ =	swait.ge [sflag:s22], s20  }
0xa0: {  	s5 =	ssub.s32 $0x0, s20;
	[sflag:s22] =	ssyncset.done $0x0  }
0xa1: {  	[sflag:s22] =	ssyncadd.s32 s5;
	_ =	sdelay $0x1  }
0xa2: {  	s23 =	simm.s32 $0x1B8B  }
0xa3: {  	_ =	swait.ge [sflag:s23], $0x1  }
0xa4: {  	[sflag:s23] =	ssyncset.done $0x0  }
0xa5: {  	s25 =	simm.s32 $0x1B8E;
	s24 =	sld [smem:$0x3FFE];
	[sflag:s23] =	ssyncadd.s32 $0xFFFFFFFF  }
0xa6: {  	s26 =	simm.s32 $execute0_lowered;
	[smem:$0x3FD2] =	sst s25  }
0xa7: {  	s6 =	sshll.u32 s26, $0x1;
	_ =	strace $0x80000046;
	[dreg:$0x1] =	wrdreg $0xFFFFFFFF  }
0xa8: {  	s28 =	simm.s32 $_size_execute0_lowered;
	s4 =	sadd.s32 s4, s6;
	[dreg:$0x0] =	wrdreg $0x0  }
0xa9: {  	s6 =	sshll.u32 s28, $0x1;
	[dreg:$0x2] =	wrdreg s4  }
0xaa: {  	[dreg:$0x3] =	wrdreg s6  }
0xab: {  	[dreg:$0x4] =	wrdreg $0xC0  }
0xac: {  	_ =	task [dreg:s8], $0x5FFFF  }
0xad: {  	[dreg:$0x1] =	wrdreg $0xFFFFFFFF  }
0xae: {  	[dreg:$0x0] =	wrdreg $0x60  }
0xaf: {  	[dreg:$0x2] =	wrdreg s18  }
0xb0: {  	[dreg:$0x3] =	wrdreg s2  }
0xb1: {  	[dreg:$0x4] =	wrdreg s24  }
0xb2: {  	[dreg:$0x5] =	wrdreg $0x9  }
0xb3: {  	_ =	task.clear_ibuf [dreg:s8], $0x6FFFF;
	_ =	strace $0x90000046  }
0xb4: {  	s29 =	simm.s32 $0x9;
	_ =	strace $0x80000048  }
0xb5: {  	_ =	swait.ge [sflag:s29], $0x1  }
0xb6: {  	[sflag:s29] =	ssyncadd.s32 $0xFFFFFFFF  }
0xb7: {  	_ =	strace $0x90000048  }
0xb8: {  	_ =	sfence  }
0xb9: {  	s30 =	sld [smem:$0x0];
	_ =	sdelay $0x2  }
0xba: {  	s31 =	sshll.u32 s1, $0xD;
	s1 =	sshrl.u32 s1, $0x2  }
0xbb: {  	s3 =	sand.u32 $0x4000, s31;
	s1 =	sadd.s32 s1, s30  }
0xbc: {  	s0 =	sor.u32 s3, s0;
	s1 =	sshll.u32 s1, $0x11  }
0xbd: {  	s0 =	sor.u32 s1, s0  }
0xbe: {  	s0 =	sadd.s32 $0x8F2B, s0  }
0xbf: {  	[sflag:s0] =	ssyncadd.remote.s32 $0x1  }
0xc0: {  	_ =	sfence.sel $0xFFFF  }
0xc1: {  	[dreg:$0x0] =	wrdreg $0xFFFFFFFF;
	(pc) =	sbr.abs _section_cstart, $3  }
0xc2: {  	[dreg:$0x1] =	wrdreg $0xFFFFFFFF  }
0xc3: {  	_ =	task.clear_ibuf [dreg:s8], $0x2FFFF;
	_ =	strace $0x9FFFFFFF  }
0xc4: {  	(tm) =	ssettm $0x7FFFFFFF  }
0xc5: {  	_ =	shalt  }
tec
execute0_lowered:
.L_overlay_start_1:
0x0: {  	(tag) =	ssettag $0x1  }
0x1: {  	s0 =	rddreg [dreg:$0x0]  }
0x2: {  	s2 =	rddreg [dreg:$0x1]  }
0x3: {  	s1 =	rddreg [dreg:$0x2]  }
0x4: {  	s4 =	srdreg.scid;
	s8 =	stileid.u32;
	s3 =	simm.s32 $0x0  }
0x5: {  	s12 =	simm.s32 $0x9;
	s13 =	simm.s32 $0xC00;
	s20 =	simm.s32 $0x13400  }
0x6: {  	s21 =	simm.s32 $0x13C00;
	s22 =	simm.s32 $0x14400;
	[smem:$0x7FF] =	sst s3  }
0x7: {  	s23 =	simm.s32 $0x14C00;
	_ =	strace $0x80000047;
	[dreg:$0x4] =	wrdreg s20  }
0x8: {  	s24 =	simm.s32 $0x15400;
	s25 =	simm.s32 $0x15C00;
	[dreg:$0x5] =	wrdreg s21  }
0x9: {  	s26 =	simm.s32 $0x16400;
	s28 =	simm.s32 $0x16C00;
	[dreg:$0x6] =	wrdreg s22  }
0xa: {  	s29 =	simm.s32 $0x17400;
	s30 =	simm.s32 $0x17C00;
	[dreg:$0x7] =	wrdreg s23  }
0xb: {  	s31 =	simm.s32 $0x18400;
	s18 =	simm.s32 $0xCC00;
	[dreg:$0x8] =	wrdreg s24  }
0xc: {  	s14 =	simm.s32 $0x2;
	s15 =	simm.s32 $0x3;
	[dreg:$0x9] =	wrdreg s25  }
0xd: {  	s16 =	simm.s32 $0x4;
	s17 =	simm.s32 $0x5;
	[dreg:$0xa] =	wrdreg s26  }
0xe: {  	s10 =	sand.u32 $0x1, s4;
	s5 =	smul.u32 $0x1800, s8;
	[dreg:$0xb] =	wrdreg s28  }
0xf: {  	s4 =	sadd.s32 $0x1C00, s1;
	s9 =	sadd.s32 $0x300, s2;
	[dreg:$0xc] =	wrdreg s29  }
0x10: {  	s6 =	smul.u32 $0xC00, s10;
	s7 =	ssub.s32 $0x2, s10;
	[dreg:$0xd] =	wrdreg s30  }
0x11: {  	s10 =	sshll.u32 s10, $0x3;
	[dreg:$0xe] =	wrdreg s31;
	s25 =	simm.s32 $0x6C00  }
0x12: {  	s20 =	simm.s32 $0x7;
	s21 =	simm.s32 $0x8;
	s19 =	sshrl.u32 s7, $0x1  }
0x13: {  	s22 =	simm.s32 $0x0;
	s6 =	sadd.s32 s6, s5;
	s1 =	ssub.s32 s7, s19  }
0x14: {  	v2 =	vlaneseq.u32;
	s5 =	smul.u32 $0x48, s8;
	s7 =	sadd.s32 $0x100, s2;
	s8 =	sadd.s32 $0x200, s2  }
0x15: {  	vm0 =	vmmov $0xffff;
	v1 =	vshrl.u32 v2, $0x3;
	s19 =	simm.s32 $0x6;
	s6 =	sshrl.u32 s6, $0x3;
	s11 =	smax.u32 s1, $0x1  }
0x16: {  	v0 =	vand.u32 $0x7, v2;
	v2 =	vor.u32 $0x8, v2;
	v1 =	vmul.u32 $0x8, v1;
	s1 =	simm.s32 $0x1;
	s6 =	sadd.s32 s0, s6;
	s0 =	simm.s32 $0x12C00  }
.LBB2_1:
0x17: {  	[tilespmem:s3], [sflag:$0x9] =	stream.linear.gather [hbm4b:s6+s3], $0xC00, $0x38;
	[tilespmem:$0x18C00] =	vst v63  }
0x18: {  	_ =	swait.ge [sflag:s12], $0xC00  }
0x19: {  	[sflag:s12] =	ssyncset.done $0x0  }
0x1a: {  	[sflag:s12] =	ssyncadd.s32 $0xFFFFF400  }
0x1b: {  	v3 =	vld [tilespmem:$0x0];
	_ =	sdelay $0x4  }
0x1c: {  	v4 =	vshll.u32 v3, $0x3  }
0x1d: {  	v3 =	vand.u32 $0x7, v3;
	v4 =	vand.u32 $0xFFFFFFC0, v4  }
0x1e: {  	v3 =	vor.u32 v3, v4  }
0x1f: {  	v4 =	vperm.xlane v3, v0;
	_ =	sdelay $0x1  }
0x20: {  	v4 =	vadd.s32 v1, v4;
	_ =	sdelay $0x4  }
0x21: {  	[tilespmem:s13], [sflag:$0x1] =	stream.indirect_vreg.gather [hbm4b:s2+s3], $0x80, v4, vm0, $0xb8;
	[tilespmem:$0x18C00] =	vst v63  }
0x22: {  	s23 =	simm.s32 $0x1400;
	v3 =	vperm.xlane v3, v2  }
0x23: {  	[tilespmem:s23], [sflag:$0x1] =	stream.indirect_vreg.gather [hbm4b:s7+s3], $0x80, v4, vm0, $0xb8;
	[tilespmem:$0x18C00] =	vst v63  }
0x24: {  	s30 =	simm.s32 $0x1C00;
	v3 =	vadd.s32 v1, v3  }
0x25: {  	[tilespmem:s30], [sflag:$0x1] =	stream.indirect_vreg.gather [hbm4b:s8+s3], $0x80, v4, vm0, $0xb8;
	[tilespmem:$0x18C00] =	vst v63  }
0x26: {  	s31 =	simm.s32 $0x2400  }
0x27: {  	[tilespmem:s31], [sflag:$0x1] =	stream.indirect_vreg.gather [hbm4b:s9+s3], $0x80, v4, vm0, $0xb8;
	[tilespmem:$0x18C00] =	vst v63  }
0x28: {  	s24 =	simm.s32 $0x2C00  }
0x29: {  	[tilespmem:s24], [sflag:$0x1] =	stream.indirect_vreg.gather [hbm4b:s2+s3], $0x80, v3, vm0, $0xb8;
	[tilespmem:$0x18C00] =	vst v63  }
0x2a: {  	s26 =	simm.s32 $0x3400  }
0x2b: {  	[tilespmem:s26], [sflag:$0x1] =	stream.indirect_vreg.gather [hbm4b:s7+s3], $0x80, v3, vm0, $0xb8;
	[tilespmem:$0x18C00] =	vst v63  }
0x2c: {  	s28 =	simm.s32 $0x3C00  }
0x2d: {  	[tilespmem:s28], [sflag:$0x1] =	stream.indirect_vreg.gather [hbm4b:s8+s3], $0x80, v3, vm0, $0xb8;
	[tilespmem:$0x18C00] =	vst v63  }
0x2e: {  	s29 =	simm.s32 $0x4400  }
0x2f: {  	[tilespmem:s29], [sflag:$0x1] =	stream.indirect_vreg.gather [hbm4b:s9+s3], $0x80, v3, vm0, $0xb8;
	[tilespmem:$0x18C00] =	vst v63  }
0x30: {  	v3 =	vld.msk [tilespmem:$0x10], $0xff;
	_ =	sdelay $0x4  }
0x31: {  	v59 =	vshll.u32 v3, $0x3  }
0x32: {  	v3 =	vand.u32 $0x7, v3;
	v4 =	vand.u32 $0xFFFFFFC0, v59  }
0x33: {  	v3 =	vor.u32 v3, v4  }
0x34: {  	v3 =	vperm.xlane v3, v0;
	_ =	sdelay $0x1  }
0x35: {  	v3 =	vadd.s32 v1, v3;
	_ =	sdelay $0x3  }
0x36: {  	s30 =	simm.s32 $0x4C00  }
0x37: {  	[tilespmem:s30], [sflag:$0x1] =	stream.indirect_vreg.gather [hbm4b:s2+s3], $0x80, v3, vm0, $0xb8;
	[tilespmem:$0x18C00] =	vst v63  }
0x38: {  	s31 =	simm.s32 $0x5400  }
0x39: {  	[tilespmem:s31], [sflag:$0x1] =	stream.indirect_vreg.gather [hbm4b:s7+s3], $0x80, v3, vm0, $0xb8;
	[tilespmem:$0x18C00] =	vst v63  }
0x3a: {  	s24 =	simm.s32 $0x5C00  }
0x3b: {  	[tilespmem:s24], [sflag:$0x1] =	stream.indirect_vreg.gather [hbm4b:s8+s3], $0x80, v3, vm0, $0xb8;
	[tilespmem:$0x18C00] =	vst v63  }
0x3c: {  	s26 =	simm.s32 $0x6400  }
0x3d: {  	[tilespmem:s26], [sflag:$0x1] =	stream.indirect_vreg.gather [hbm4b:s9+s3], $0x80, v3, vm0, $0xb8;
	[tilespmem:$0x18C00] =	vst v63  }
0x3e: {  	v3 =	vld [tilespmem:$0x80];
	_ =	sdelay $0x4  }
0x3f: {  	v60 =	vshll.u32 v3, $0x3  }
0x40: {  	v3 =	vand.u32 $0x7, v3;
	v4 =	vand.u32 $0xFFFFFFC0, v60  }
0x41: {  	v3 =	vor.u32 v3, v4  }
0x42: {  	v4 =	vperm.xlane v3, v0;
	_ =	sdelay $0x1  }
0x43: {  	v4 =	vadd.s32 v1, v4;
	_ =	sdelay $0x4  }
0x44: {  	[tilespmem:s25], [sflag:$0x2] =	stream.indirect_vreg.gather [hbm4b:s2+s3], $0x80, v4, vm0, $0xb8;
	[tilespmem:$0x18C00] =	vst v63  }
0x45: {  	s28 =	simm.s32 $0x7400;
	v3 =	vperm.xlane v3, v2  }
0x46: {  	[tilespmem:s28], [sflag:$0x2] =	stream.indirect_vreg.gather [hbm4b:s7+s3], $0x80, v4, vm0, $0xb8;
	[tilespmem:$0x18C00] =	vst v63  }
0x47: {  	s29 =	simm.s32 $0x7C00;
	v3 =	vadd.s32 v1, v3  }
0x48: {  	[tilespmem:s29], [sflag:$0x2] =	stream.indirect_vreg.gather [hbm4b:s8+s3], $0x80, v4, vm0, $0xb8;
	[tilespmem:$0x18C00] =	vst v63  }
0x49: {  	s30 =	simm.s32 $0x8400  }
0x4a: {  	[tilespmem:s30], [sflag:$0x2] =	stream.indirect_vreg.gather [hbm4b:s9+s3], $0x80, v4, vm0, $0xb8;
	[tilespmem:$0x18C00] =	vst v63  }
0x4b: {  	s31 =	simm.s32 $0x8C00  }
0x4c: {  	[tilespmem:s31], [sflag:$0x2] =	stream.indirect_vreg.gather [hbm4b:s2+s3], $0x80, v3, vm0, $0xb8;
	[tilespmem:$0x18C00] =	vst v63  }
0x4d: {  	s24 =	simm.s32 $0x9400  }
0x4e: {  	[tilespmem:s24], [sflag:$0x2] =	stream.indirect_vreg.gather [hbm4b:s7+s3], $0x80, v3, vm0, $0xb8;
	[tilespmem:$0x18C00] =	vst v63  }
0x4f: {  	s26 =	simm.s32 $0x9C00  }
0x50: {  	[tilespmem:s26], [sflag:$0x2] =	stream.indirect_vreg.gather [hbm4b:s8+s3], $0x80, v3, vm0, $0xb8;
	[tilespmem:$0x18C00] =	vst v63  }
0x51: {  	s28 =	simm.s32 $0xA400  }
0x52: {  	[tilespmem:s28], [sflag:$0x2] =	stream.indirect_vreg.gather [hbm4b:s9+s3], $0x80, v3, vm0, $0xb8;
	[tilespmem:$0x18C00] =	vst v63  }
0x53: {  	v3 =	vld.msk [tilespmem:$0x90], $0xff;
	_ =	sdelay $0x4  }
0x54: {  	v61 =	vshll.u32 v3, $0x3  }
0x55: {  	v3 =	vand.u32 $0x7, v3;
	v4 =	vand.u32 $0xFFFFFFC0, v61  }
0x56: {  	v3 =	vor.u32 v3, v4  }
0x57: {  	v3 =	vperm.xlane v3, v0;
	_ =	sdelay $0x1  }
0x58: {  	v3 =	vadd.s32 v1, v3;
	_ =	sdelay $0x3  }
0x59: {  	s29 =	simm.s32 $0xAC00  }
0x5a: {  	[tilespmem:s29], [sflag:$0x2] =	stream.indirect_vreg.gather [hbm4b:s2+s3], $0x80, v3, vm0, $0xb8;
	[tilespmem:$0x18C00] =	vst v63  }
0x5b: {  	s30 =	simm.s32 $0xB400  }
0x5c: {  	[tilespmem:s30], [sflag:$0x2] =	stream.indirect_vreg.gather [hbm4b:s7+s3], $0x80, v3, vm0, $0xb8;
	[tilespmem:$0x18C00] =	vst v63  }
0x5d: {  	s31 =	simm.s32 $0xBC00  }
0x5e: {  	[tilespmem:s31], [sflag:$0x2] =	stream.indirect_vreg.gather [hbm4b:s8+s3], $0x80, v3, vm0, $0xb8;
	[tilespmem:$0x18C00] =	vst v63  }
0x5f: {  	s24 =	simm.s32 $0xC400  }
0x60: {  	[tilespmem:s24], [sflag:$0x2] =	stream.indirect_vreg.gather [hbm4b:s9+s3], $0x80, v3, vm0, $0xb8;
	[tilespmem:$0x18C00] =	vst v63  }
0x61: {  	v3 =	vld [tilespmem:$0x100];
	_ =	sdelay $0x4  }
0x62: {  	v62 =	vshll.u32 v3, $0x3  }
0x63: {  	v3 =	vand.u32 $0x7, v3;
	v4 =	vand.u32 $0xFFFFFFC0, v62  }
0x64: {  	v3 =	vor.u32 v3, v4  }
0x65: {  	v4 =	vperm.xlane v3, v0;
	_ =	sdelay $0x1  }
0x66: {  	v4 =	vadd.s32 v1, v4;
	_ =	sdelay $0x4  }
0x67: {  	[tilespmem:s18], [sflag:$0x3] =	stream.indirect_vreg.gather [hbm4b:s2+s3], $0x80, v4, vm0, $0xb8;
	[tilespmem:$0x18C00] =	vst v63  }
0x68: {  	s26 =	simm.s32 $0xD400;
	v3 =	vperm.xlane v3, v2  }
0x69: {  	[tilespmem:s26], [sflag:$0x3] =	stream.indirect_vreg.gather [hbm4b:s7+s3], $0x80, v4, vm0, $0xb8;
	[tilespmem:$0x18C00] =	vst v63  }
0x6a: {  	s28 =	simm.s32 $0xDC00;
	v3 =	vadd.s32 v1, v3  }
0x6b: {  	[tilespmem:s28], [sflag:$0x3] =	stream.indirect_vreg.gather [hbm4b:s8+s3], $0x80, v4, vm0, $0xb8;
	[tilespmem:$0x18C00] =	vst v63  }
0x6c: {  	s29 =	simm.s32 $0xE400  }
0x6d: {  	[tilespmem:s29], [sflag:$0x3] =	stream.indirect_vreg.gather [hbm4b:s9+s3], $0x80, v4, vm0, $0xb8;
	[tilespmem:$0x18C00] =	vst v63  }
0x6e: {  	s30 =	simm.s32 $0xEC00  }
0x6f: {  	[tilespmem:s30], [sflag:$0x3] =	stream.indirect_vreg.gather [hbm4b:s2+s3], $0x80, v3, vm0, $0xb8;
	[tilespmem:$0x18C00] =	vst v63  }
0x70: {  	s31 =	simm.s32 $0xF400  }
0x71: {  	[tilespmem:s31], [sflag:$0x3] =	stream.indirect_vreg.gather [hbm4b:s7+s3], $0x80, v3, vm0, $0xb8;
	[tilespmem:$0x18C00] =	vst v63  }
0x72: {  	s24 =	simm.s32 $0xFC00  }
0x73: {  	[tilespmem:s24], [sflag:$0x3] =	stream.indirect_vreg.gather [hbm4b:s8+s3], $0x80, v3, vm0, $0xb8;
	[tilespmem:$0x18C00] =	vst v63  }
0x74: {  	s26 =	simm.s32 $0x10400  }
0x75: {  	[tilespmem:s26], [sflag:$0x3] =	stream.indirect_vreg.gather [hbm4b:s9+s3], $0x80, v3, vm0, $0xb8;
	[tilespmem:$0x18C00] =	vst v63  }
0x76: {  	v3 =	vld.msk [tilespmem:$0x110], $0xff;
	_ =	sdelay $0x4  }
0x77: {  	v63 =	vshll.u32 v3, $0x3  }
0x78: {  	v3 =	vand.u32 $0x7, v3;
	v4 =	vand.u32 $0xFFFFFFC0, v63  }
0x79: {  	v3 =	vor.u32 v3, v4  }
0x7a: {  	v3 =	vperm.xlane v3, v0;
	_ =	sdelay $0x1  }
0x7b: {  	v3 =	vadd.s32 v1, v3;
	_ =	sdelay $0x3  }
0x7c: {  	s28 =	simm.s32 $0x10C00  }
0x7d: {  	[tilespmem:s28], [sflag:$0x3] =	stream.indirect_vreg.gather [hbm4b:s2+s3], $0x80, v3, vm0, $0xb8;
	[tilespmem:$0x18C00] =	vst v63  }
0x7e: {  	s29 =	simm.s32 $0x11400  }
0x7f: {  	[tilespmem:s29], [sflag:$0x3] =	stream.indirect_vreg.gather [hbm4b:s7+s3], $0x80, v3, vm0, $0xb8;
	[tilespmem:$0x18C00] =	vst v63  }
0x80: {  	s30 =	simm.s32 $0x11C00  }
0x81: {  	[tilespmem:s30], [sflag:$0x3] =	stream.indirect_vreg.gather [hbm4b:s8+s3], $0x80, v3, vm0, $0xb8;
	[tilespmem:$0x18C00] =	vst v63  }
0x82: {  	s23 =	simm.s32 $0x190;
	s31 =	simm.s32 $0x12400;
	s24 =	simm.s32 $0x0  }
0x83: {  	[tilespmem:s31], [sflag:$0x3] =	stream.indirect_vreg.gather [hbm4b:s9+s3], $0x80, v3, vm0, $0xb8;
	[tilespmem:$0x18C00] =	vst v63  }
.LBB2_2:
0x84: {  	p0 =	seq.s32 s24, $0x0  }
0x85: {  	s26 =	simm.s32 @!p0 $0x8  }
0x86: {  	_ =	swait.ge @!p0 [sflag:s26], $0x6000  }
0x87: {  	[sflag:s26] =	ssyncset.done @!p0 $0x0  }
0x88: {  	[sflag:s26] =	ssyncadd.s32 @!p0 $0xFFFFA000  }
0x89: {  	v3 =	vld [tilespmem:s23+$0xFFFFFFF0];
	_ =	sdelay $0x4  }
0x8a: {  	v4 =	vshll.u32 v3, $0x3  }
0x8b: {  	v3 =	vand.u32 $0x7, v3;
	v4 =	vand.u32 $0xFFFFFFC0, v4  }
0x8c: {  	v3 =	vor.u32 v3, v4  }
0x8d: {  	v4 =	vperm.xlane v3, v0;
	_ =	sdelay $0x1  }
0x8e: {  	v4 =	vadd.s32 v1, v4;
	_ =	sdelay $0x4  }
0x8f: {  	[tilespmem:s0], [sflag:$0x4] =	stream.indirect_vreg.gather [hbm4b:s2+s3], $0x80, v4, vm0, $0xb8;
	[tilespmem:$0x18C00] =	vst v63  }
0x90: {  	s29 =	rddreg [dreg:$0x4];
	v3 =	vperm.xlane v3, v2  }
0x91: {  	[tilespmem:s29], [sflag:$0x4] =	stream.indirect_vreg.gather [hbm4b:s7+s3], $0x80, v4, vm0, $0xb8;
	[tilespmem:$0x18C00] =	vst v63  }
0x92: {  	s28 =	rddreg [dreg:$0x5];
	v3 =	vadd.s32 v1, v3  }
0x93: {  	[tilespmem:s28], [sflag:$0x4] =	stream.indirect_vreg.gather [hbm4b:s8+s3], $0x80, v4, vm0, $0xb8;
	[tilespmem:$0x18C00] =	vst v63  }
0x94: {  	s30 =	rddreg [dreg:$0x6]  }
0x95: {  	[tilespmem:s30], [sflag:$0x4] =	stream.indirect_vreg.gather [hbm4b:s9+s3], $0x80, v4, vm0, $0xb8;
	[tilespmem:$0x18C00] =	vst v63  }
0x96: {  	s31 =	rddreg [dreg:$0x7]  }
0x97: {  	[tilespmem:s31], [sflag:$0x4] =	stream.indirect_vreg.gather [hbm4b:s2+s3], $0x80, v3, vm0, $0xb8;
	[tilespmem:$0x18C00] =	vst v63  }
0x98: {  	s29 =	rddreg [dreg:$0x8]  }
0x99: {  	[tilespmem:s29], [sflag:$0x4] =	stream.indirect_vreg.gather [hbm4b:s7+s3], $0x80, v3, vm0, $0xb8;
	[tilespmem:$0x18C00] =	vst v63  }
0x9a: {  	s30 =	rddreg [dreg:$0x9]  }
0x9b: {  	[tilespmem:s30], [sflag:$0x4] =	stream.indirect_vreg.gather [hbm4b:s8+s3], $0x80, v3, vm0, $0xb8;
	[tilespmem:$0x18C00] =	vst v63  }
0x9c: {  	s31 =	rddreg [dreg:$0xa]  }
0x9d: {  	[tilespmem:s31], [sflag:$0x4] =	stream.indirect_vreg.gather [hbm4b:s9+s3], $0x80, v3, vm0, $0xb8;
	[tilespmem:$0x18C00] =	vst v63  }
0x9e: {  	v3 =	vld.msk [tilespmem:s23+$0x0], $0xff;
	_ =	sdelay $0x4  }
0x9f: {  	v63 =	vshll.u32 v3, $0x3  }
0xa0: {  	v3 =	vand.u32 $0x7, v3;
	v4 =	vand.u32 $0xFFFFFFC0, v63  }
0xa1: {  	v3 =	vor.u32 v3, v4  }
0xa2: {  	v3 =	vperm.xlane v3, v0;
	_ =	sdelay $0x1  }
0xa3: {  	v3 =	vadd.s32 v1, v3;
	_ =	sdelay $0x3  }
0xa4: {  	s29 =	rddreg [dreg:$0xb]  }
0xa5: {  	[tilespmem:s29], [sflag:$0x4] =	stream.indirect_vreg.gather [hbm4b:s2+s3], $0x80, v3, vm0, $0xb8;
	[tilespmem:$0x18C00] =	vst v63  }
0xa6: {  	s29 =	sand.u32 $0xFF, s24  }
0xa7: {  	s30 =	rddreg [dreg:$0xc];
	s28 =	smul.u32 $0xAB, s29  }
0xa8: {  	[tilespmem:s30], [sflag:$0x4] =	stream.indirect_vreg.gather [hbm4b:s7+s3], $0x80, v3, vm0, $0xb8;
	[tilespmem:$0x18C00] =	vst v63  }
0xa9: {  	s30 =	sshrl.u32 s28, $0x9  }
0xaa: {  	s31 =	rddreg [dreg:$0xd];
	s28 =	smul.u32 $0x3, s30  }
0xab: {  	[tilespmem:s31], [sflag:$0x4] =	stream.indirect_vreg.gather [hbm4b:s8+s3], $0x80, v3, vm0, $0xb8;
	[tilespmem:$0x18C00] =	vst v63  }
0xac: {  	s28 =	ssub.s32 s24, s28  }
0xad: {  	s29 =	rddreg [dreg:$0xe];
	s28 =	smul.u32 $0x18, s28  }
0xae: {  	[tilespmem:s29], [sflag:$0x4] =	stream.indirect_vreg.gather [hbm4b:s9+s3], $0x80, v3, vm0, $0xb8;
	[tilespmem:$0x18C00] =	vst v63  }
0xaf: {  	s26 =	sadd.s32 s30, s10;
	s28 =	sand.u32 $0xF8, s28  }
0xb0: {  	s26 =	smul.u32 $0x120000, s26;
	s28 =	sadd.s32 s28, s5  }
0xb1: {  	s28 =	sshll.u32 s28, $0xA  }
0xb2: {  	_ =	swait.ge [sflag:s1], $0x6000;
	s26 =	sadd.s32 s26, s28  }
0xb3: {  	[sflag:s1] =	ssyncset.done $0x0;
	s26 =	sshrl.u32 s26, $0x3  }
0xb4: {  	p0 =	seq.s32 s24, $0x14;
	[sflag:s1] =	ssyncadd.s32 $0xFFFFA000;
	s26 =	sadd.s32 s4, s26  }
0xb5: {  	[hbm4b:s26+s3] =	stream.linear.scatter [tilespmem:s13], [sflag:$0x5], $0x6000, $0x38;
	[tilespmem:$0x18C00] =	vst v63  }
0xb6: {  	s26 =	simm.s32 @!p0 $0x5  }
0xb7: {  	_ =	swait.ge @!p0 [sflag:s26], $0x6000  }
0xb8: {  	[sflag:s26] =	ssyncset.done @!p0 $0x0  }
0xb9: {  	[sflag:s26] =	ssyncadd.s32 @!p0 $0xFFFFA000  }
0xba: {  	v3 =	vld @!p0 [tilespmem:s23+$0x70];
	_ =	sdelay $0x4  }
0xbb: {  	v4 =	vshll.u32 @!p0 v3, $0x3  }
0xbc: {  	v5 =	vlaneseq.u32 @!p0;
	v3 =	vand.u32 @!p0 $0x7, v3;
	v4 =	vand.u32 @!p0 $0xFFFFFFC0, v4  }
0xbd: {  	v6 =	vor.u32 @!p0 v3, v4;
	v3 =	vand.u32 @!p0 $0x7, v5;
	v4 =	vshrl.u32 @!p0 v5, $0x3  }
0xbe: {  	v7 =	vperm.xlane @!p0 v6, v3;
	v4 =	vmul.u32 @!p0 $0x8, v4;
	_ =	sdelay $0x1  }
0xbf: {  	v7 =	vadd.s32 @!p0 v4, v7;
	_ =	sdelay $0x3  }
0xc0: {  	vm1 =	vmmov @!p0 $0xffff;
	s28 =	simm.s32 @!p0 $0xC00;
	s26 =	simm.s32 @!p0 $0x0  }
0xc1: {  	v5 =	vor.u32 @!p0 $0x8, v5;
	[tilespmem:s28], [sflag:$0x1] =	stream.indirect_vreg.gather @!p0 [hbm4b:s2+s26], $0x80, v7, vm1, $0xb8;
	[tilespmem:$0x18C00] =	vst v63  }
0xc2: {  	v6 =	vperm.xlane @!p0 v6, v5;
	s28 =	simm.s32 @!p0 $0x1400  }
0xc3: {  	[tilespmem:s28], [sflag:$0x1] =	stream.indirect_vreg.gather @!p0 [hbm4b:s7+s26], $0x80, v7, vm1, $0xb8;
	[tilespmem:$0x18C00] =	vst v63  }
0xc4: {  	v6 =	vadd.s32 @!p0 v4, v6;
	s28 =	simm.s32 @!p0 $0x1C00  }
0xc5: {  	[tilespmem:s28], [sflag:$0x1] =	stream.indirect_vreg.gather @!p0 [hbm4b:s8+s26], $0x80, v7, vm1, $0xb8;
	[tilespmem:$0x18C00] =	vst v63  }
0xc6: {  	s28 =	simm.s32 @!p0 $0x2400  }
0xc7: {  	[tilespmem:s28], [sflag:$0x1] =	stream.indirect_vreg.gather @!p0 [hbm4b:s9+s26], $0x80, v7, vm1, $0xb8;
	[tilespmem:$0x18C00] =	vst v63  }
0xc8: {  	s28 =	simm.s32 @!p0 $0x2C00  }
0xc9: {  	[tilespmem:s28], [sflag:$0x1] =	stream.indirect_vreg.gather @!p0 [hbm4b:s2+s26], $0x80, v6, vm1, $0xb8;
	[tilespmem:$0x18C00] =	vst v63  }
0xca: {  	s28 =	simm.s32 @!p0 $0x3400  }
0xcb: {  	[tilespmem:s28], [sflag:$0x1] =	stream.indirect_vreg.gather @!p0 [hbm4b:s7+s26], $0x80, v6, vm1, $0xb8;
	[tilespmem:$0x18C00] =	vst v63  }
0xcc: {  	s28 =	simm.s32 @!p0 $0x3C00  }
0xcd: {  	[tilespmem:s28], [sflag:$0x1] =	stream.indirect_vreg.gather @!p0 [hbm4b:s8+s26], $0x80, v6, vm1, $0xb8;
	[tilespmem:$0x18C00] =	vst v63  }
0xce: {  	s28 =	simm.s32 @!p0 $0x4400  }
0xcf: {  	[tilespmem:s28], [sflag:$0x1] =	stream.indirect_vreg.gather @!p0 [hbm4b:s9+s26], $0x80, v6, vm1, $0xb8;
	[tilespmem:$0x18C00] =	vst v63  }
0xd0: {  	v6 =	vld.msk @!p0 [tilespmem:s23+$0x80], $0xff;
	_ =	sdelay $0x4  }
0xd1: {  	v7 =	vshll.u32 @!p0 v6, $0x3  }
0xd2: {  	v6 =	vand.u32 @!p0 $0x7, v6;
	v7 =	vand.u32 @!p0 $0xFFFFFFC0, v7  }
0xd3: {  	v6 =	vor.u32 @!p0 v6, v7  }
0xd4: {  	v6 =	vperm.xlane @!p0 v6, v3;
	_ =	sdelay $0x1  }
0xd5: {  	v6 =	vadd.s32 @!p0 v4, v6;
	_ =	sdelay $0x3  }
0xd6: {  	s28 =	simm.s32 @!p0 $0x4C00  }
0xd7: {  	[tilespmem:s28], [sflag:$0x1] =	stream.indirect_vreg.gather @!p0 [hbm4b:s2+s26], $0x80, v6, vm1, $0xb8;
	[tilespmem:$0x18C00] =	vst v63  }
0xd8: {  	s28 =	sor.u32 $0x1, s24  }
0xd9: {  	s31 =	sand.u32 $0xFF, s28  }
0xda: {  	s30 =	simm.s32 @!p0 $0x5400;
	s29 =	smul.u32 $0xAB, s31  }
0xdb: {  	[tilespmem:s30], [sflag:$0x1] =	stream.indirect_vreg.gather @!p0 [hbm4b:s7+s26], $0x80, v6, vm1, $0xb8;
	[tilespmem:$0x18C00] =	vst v63  }
0xdc: {  	s29 =	sshrl.u32 s29, $0x9  }
0xdd: {  	s30 =	simm.s32 @!p0 $0x5C00;
	s31 =	smul.u32 $0x3, s29  }
0xde: {  	[tilespmem:s30], [sflag:$0x1] =	stream.indirect_vreg.gather @!p0 [hbm4b:s8+s26], $0x80, v6, vm1, $0xb8;
	[tilespmem:$0x18C00] =	vst v63  }
0xdf: {  	s28 =	ssub.s32 s28, s31  }
0xe0: {  	s30 =	simm.s32 @!p0 $0x6400;
	s28 =	smul.u32 $0x18, s28  }
0xe1: {  	[tilespmem:s30], [sflag:$0x1] =	stream.indirect_vreg.gather @!p0 [hbm4b:s9+s26], $0x80, v6, vm1, $0xb8;
	[tilespmem:$0x18C00] =	vst v63  }
0xe2: {  	s29 =	sadd.s32 s29, s10;
	s28 =	sand.u32 $0xF8, s28  }
0xe3: {  	s29 =	smul.u32 $0x120000, s29;
	s28 =	sadd.s32 s28, s5  }
0xe4: {  	s28 =	sshll.u32 s28, $0xA  }
0xe5: {  	_ =	swait.ge [sflag:s14], $0x6000;
	s28 =	sadd.s32 s29, s28  }
0xe6: {  	[sflag:s14] =	ssyncset.done $0x0;
	s28 =	sshrl.u32 s28, $0x3  }
0xe7: {  	[sflag:s14] =	ssyncadd.s32 $0xFFFFA000;
	s28 =	sadd.s32 s4, s28  }
0xe8: {  	[hbm4b:s28+s3] =	stream.linear.scatter [tilespmem:s25], [sflag:$0x6], $0x6000, $0x38;
	[tilespmem:$0x18C00] =	vst v63  }
0xe9: {  	s28 =	simm.s32 @!p0 $0x6  }
0xea: {  	_ =	swait.ge @!p0 [sflag:s28], $0x6000  }
0xeb: {  	[sflag:s28] =	ssyncset.done @!p0 $0x0  }
0xec: {  	[sflag:s28] =	ssyncadd.s32 @!p0 $0xFFFFA000  }
0xed: {  	v6 =	vld @!p0 [tilespmem:s23+$0xF0];
	_ =	sdelay $0x4  }
0xee: {  	v7 =	vshll.u32 @!p0 v6, $0x3  }
0xef: {  	v6 =	vand.u32 @!p0 $0x7, v6;
	v7 =	vand.u32 @!p0 $0xFFFFFFC0, v7  }
0xf0: {  	v6 =	vor.u32 @!p0 v6, v7  }
0xf1: {  	v7 =	vperm.xlane @!p0 v6, v3;
	_ =	sdelay $0x1  }
0xf2: {  	v7 =	vadd.s32 @!p0 v4, v7;
	_ =	sdelay $0x3  }
0xf3: {  	s28 =	simm.s32 @!p0 $0x6C00  }
0xf4: {  	[tilespmem:s28], [sflag:$0x2] =	stream.indirect_vreg.gather @!p0 [hbm4b:s2+s26], $0x80, v7, vm1, $0xb8;
	[tilespmem:$0x18C00] =	vst v63  }
0xf5: {  	v6 =	vperm.xlane @!p0 v6, v5;
	s28 =	simm.s32 @!p0 $0x7400  }
0xf6: {  	[tilespmem:s28], [sflag:$0x2] =	stream.indirect_vreg.gather @!p0 [hbm4b:s7+s26], $0x80, v7, vm1, $0xb8;
	[tilespmem:$0x18C00] =	vst v63  }
0xf7: {  	v6 =	vadd.s32 @!p0 v4, v6;
	s28 =	simm.s32 @!p0 $0x7C00  }
0xf8: {  	[tilespmem:s28], [sflag:$0x2] =	stream.indirect_vreg.gather @!p0 [hbm4b:s8+s26], $0x80, v7, vm1, $0xb8;
	[tilespmem:$0x18C00] =	vst v63  }
0xf9: {  	s28 =	simm.s32 @!p0 $0x8400  }
0xfa: {  	[tilespmem:s28], [sflag:$0x2] =	stream.indirect_vreg.gather @!p0 [hbm4b:s9+s26], $0x80, v7, vm1, $0xb8;
	[tilespmem:$0x18C00] =	vst v63  }
0xfb: {  	s28 =	simm.s32 @!p0 $0x8C00  }
0xfc: {  	[tilespmem:s28], [sflag:$0x2] =	stream.indirect_vreg.gather @!p0 [hbm4b:s2+s26], $0x80, v6, vm1, $0xb8;
	[tilespmem:$0x18C00] =	vst v63  }
0xfd: {  	s28 =	simm.s32 @!p0 $0x9400  }
0xfe: {  	[tilespmem:s28], [sflag:$0x2] =	stream.indirect_vreg.gather @!p0 [hbm4b:s7+s26], $0x80, v6, vm1, $0xb8;
	[tilespmem:$0x18C00] =	vst v63  }
0xff: {  	s28 =	simm.s32 @!p0 $0x9C00  }
0x100: {  	[tilespmem:s28], [sflag:$0x2] =	stream.indirect_vreg.gather @!p0 [hbm4b:s8+s26], $0x80, v6, vm1, $0xb8;
	[tilespmem:$0x18C00] =	vst v63  }
0x101: {  	s28 =	simm.s32 @!p0 $0xA400  }
0x102: {  	[tilespmem:s28], [sflag:$0x2] =	stream.indirect_vreg.gather @!p0 [hbm4b:s9+s26], $0x80, v6, vm1, $0xb8;
	[tilespmem:$0x18C00] =	vst v63  }
0x103: {  	v6 =	vld.msk @!p0 [tilespmem:s23+$0x100], $0xff;
	_ =	sdelay $0x4  }
0x104: {  	v7 =	vshll.u32 @!p0 v6, $0x3  }
0x105: {  	v6 =	vand.u32 @!p0 $0x7, v6;
	v7 =	vand.u32 @!p0 $0xFFFFFFC0, v7  }
0x106: {  	v6 =	vor.u32 @!p0 v6, v7  }
0x107: {  	v6 =	vperm.xlane @!p0 v6, v3;
	_ =	sdelay $0x1  }
0x108: {  	v6 =	vadd.s32 @!p0 v4, v6;
	_ =	sdelay $0x3  }
0x109: {  	s28 =	simm.s32 @!p0 $0xAC00  }
0x10a: {  	[tilespmem:s28], [sflag:$0x2] =	stream.indirect_vreg.gather @!p0 [hbm4b:s2+s26], $0x80, v6, vm1, $0xb8;
	[tilespmem:$0x18C00] =	vst v63  }
0x10b: {  	s28 =	sor.u32 $0x2, s24  }
0x10c: {  	s31 =	sand.u32 $0xFF, s28  }
0x10d: {  	s30 =	simm.s32 @!p0 $0xB400;
	s29 =	smul.u32 $0xAB, s31  }
0x10e: {  	[tilespmem:s30], [sflag:$0x2] =	stream.indirect_vreg.gather @!p0 [hbm4b:s7+s26], $0x80, v6, vm1, $0xb8;
	[tilespmem:$0x18C00] =	vst v63  }
0x10f: {  	s29 =	sshrl.u32 s29, $0x9  }
0x110: {  	s30 =	simm.s32 @!p0 $0xBC00;
	s31 =	smul.u32 $0x3, s29  }
0x111: {  	[tilespmem:s30], [sflag:$0x2] =	stream.indirect_vreg.gather @!p0 [hbm4b:s8+s26], $0x80, v6, vm1, $0xb8;
	[tilespmem:$0x18C00] =	vst v63  }
0x112: {  	s28 =	ssub.s32 s28, s31  }
0x113: {  	s30 =	simm.s32 @!p0 $0xC400;
	s28 =	smul.u32 $0x18, s28  }
0x114: {  	[tilespmem:s30], [sflag:$0x2] =	stream.indirect_vreg.gather @!p0 [hbm4b:s9+s26], $0x80, v6, vm1, $0xb8;
	[tilespmem:$0x18C00] =	vst v63  }
0x115: {  	s29 =	sadd.s32 s29, s10;
	s28 =	sand.u32 $0xF8, s28  }
0x116: {  	s29 =	smul.u32 $0x120000, s29;
	s28 =	sadd.s32 s28, s5  }
0x117: {  	s28 =	sshll.u32 s28, $0xA  }
0x118: {  	_ =	swait.ge [sflag:s15], $0x6000;
	s28 =	sadd.s32 s29, s28  }
0x119: {  	[sflag:s15] =	ssyncset.done $0x0;
	s28 =	sshrl.u32 s28, $0x3  }
0x11a: {  	[sflag:s15] =	ssyncadd.s32 $0xFFFFA000;
	s28 =	sadd.s32 s4, s28  }
0x11b: {  	[hbm4b:s28+s3] =	stream.linear.scatter [tilespmem:s18], [sflag:$0x7], $0x6000, $0x38;
	[tilespmem:$0x18C00] =	vst v63  }
0x11c: {  	s28 =	simm.s32 @!p0 $0x7  }
0x11d: {  	_ =	swait.ge @!p0 [sflag:s28], $0x6000  }
0x11e: {  	[sflag:s28] =	ssyncset.done @!p0 $0x0  }
0x11f: {  	[sflag:s28] =	ssyncadd.s32 @!p0 $0xFFFFA000  }
0x120: {  	v6 =	vld @!p0 [tilespmem:s23+$0x170];
	_ =	sdelay $0x4  }
0x121: {  	v7 =	vshll.u32 @!p0 v6, $0x3  }
0x122: {  	v6 =	vand.u32 @!p0 $0x7, v6;
	v7 =	vand.u32 @!p0 $0xFFFFFFC0, v7  }
0x123: {  	v6 =	vor.u32 @!p0 v6, v7  }
0x124: {  	v7 =	vperm.xlane @!p0 v6, v3;
	_ =	sdelay $0x1  }
0x125: {  	v7 =	vadd.s32 @!p0 v4, v7;
	_ =	sdelay $0x3  }
0x126: {  	s28 =	simm.s32 @!p0 $0xCC00  }
0x127: {  	[tilespmem:s28], [sflag:$0x3] =	stream.indirect_vreg.gather @!p0 [hbm4b:s2+s26], $0x80, v7, vm1, $0xb8;
	[tilespmem:$0x18C00] =	vst v63  }
0x128: {  	v5 =	vperm.xlane @!p0 v6, v5;
	s28 =	simm.s32 @!p0 $0xD400  }
0x129: {  	[tilespmem:s28], [sflag:$0x3] =	stream.indirect_vreg.gather @!p0 [hbm4b:s7+s26], $0x80, v7, vm1, $0xb8;
	[tilespmem:$0x18C00] =	vst v63  }
0x12a: {  	v5 =	vadd.s32 @!p0 v4, v5;
	s28 =	simm.s32 @!p0 $0xDC00  }
0x12b: {  	[tilespmem:s28], [sflag:$0x3] =	stream.indirect_vreg.gather @!p0 [hbm4b:s8+s26], $0x80, v7, vm1, $0xb8;
	[tilespmem:$0x18C00] =	vst v63  }
0x12c: {  	s28 =	simm.s32 @!p0 $0xE400  }
0x12d: {  	[tilespmem:s28], [sflag:$0x3] =	stream.indirect_vreg.gather @!p0 [hbm4b:s9+s26], $0x80, v7, vm1, $0xb8;
	[tilespmem:$0x18C00] =	vst v63  }
0x12e: {  	s28 =	simm.s32 @!p0 $0xEC00  }
0x12f: {  	[tilespmem:s28], [sflag:$0x3] =	stream.indirect_vreg.gather @!p0 [hbm4b:s2+s26], $0x80, v5, vm1, $0xb8;
	[tilespmem:$0x18C00] =	vst v63  }
0x130: {  	s28 =	simm.s32 @!p0 $0xF400  }
0x131: {  	[tilespmem:s28], [sflag:$0x3] =	stream.indirect_vreg.gather @!p0 [hbm4b:s7+s26], $0x80, v5, vm1, $0xb8;
	[tilespmem:$0x18C00] =	vst v63  }
0x132: {  	s28 =	simm.s32 @!p0 $0xFC00  }
0x133: {  	[tilespmem:s28], [sflag:$0x3] =	stream.indirect_vreg.gather @!p0 [hbm4b:s8+s26], $0x80, v5, vm1, $0xb8;
	[tilespmem:$0x18C00] =	vst v63  }
0x134: {  	s28 =	simm.s32 @!p0 $0x10400  }
0x135: {  	[tilespmem:s28], [sflag:$0x3] =	stream.indirect_vreg.gather @!p0 [hbm4b:s9+s26], $0x80, v5, vm1, $0xb8;
	[tilespmem:$0x18C00] =	vst v63  }
0x136: {  	v5 =	vld.msk @!p0 [tilespmem:s23+$0x180], $0xff;
	_ =	sdelay $0x4  }
0x137: {  	v6 =	vshll.u32 @!p0 v5, $0x3  }
0x138: {  	v5 =	vand.u32 @!p0 $0x7, v5;
	v6 =	vand.u32 @!p0 $0xFFFFFFC0, v6  }
0x139: {  	v5 =	vor.u32 @!p0 v5, v6  }
0x13a: {  	v3 =	vperm.xlane @!p0 v5, v3;
	_ =	sdelay $0x1  }
0x13b: {  	v3 =	vadd.s32 @!p0 v4, v3;
	_ =	sdelay $0x2  }
0x13c: {  	s28 =	sadd.s32 $0x3, s24  }
0x13d: {  	s29 =	simm.s32 @!p0 $0x10C00;
	s31 =	smul.u32 $0xAB, s28  }
0x13e: {  	[tilespmem:s29], [sflag:$0x3] =	stream.indirect_vreg.gather @!p0 [hbm4b:s2+s26], $0x80, v3, vm1, $0xb8;
	[tilespmem:$0x18C00] =	vst v63  }
0x13f: {  	s30 =	sshrl.u32 s31, $0x9;
	s29 =	simm.s32 @!p0 $0x11400  }
0x140: {  	[tilespmem:s29], [sflag:$0x3] =	stream.indirect_vreg.gather @!p0 [hbm4b:s7+s26], $0x80, v3, vm1, $0xb8;
	[tilespmem:$0x18C00] =	vst v63  }
0x141: {  	s29 =	sand.u32 $0x7F, s30  }
0x142: {  	s30 =	simm.s32 @!p0 $0x11C00;
	s31 =	smul.u32 $0x3, s29  }
0x143: {  	[tilespmem:s30], [sflag:$0x3] =	stream.indirect_vreg.gather @!p0 [hbm4b:s8+s26], $0x80, v3, vm1, $0xb8;
	[tilespmem:$0x18C00] =	vst v63  }
0x144: {  	s28 =	ssub.s32 s28, s31  }
0x145: {  	s30 =	simm.s32 @!p0 $0x12400;
	s28 =	smul.u32 $0x18, s28  }
0x146: {  	[tilespmem:s30], [sflag:$0x3] =	stream.indirect_vreg.gather @!p0 [hbm4b:s9+s26], $0x80, v3, vm1, $0xb8;
	[tilespmem:$0x18C00] =	vst v63  }
0x147: {  	s24 =	sadd.s32 $0x4, s24;
	s31 =	sadd.s32 s29, s10;
	s28 =	sand.u32 $0xF8, s28  }
0x148: {  	s26 =	smul.u32 $0x120000, s31;
	p0 =	sne.s32 s24, $0x18;
	s28 =	sadd.s32 s28, s5  }
.Ltmp0:
0x149: {  	s28 =	sshll.u32 s28, $0xA;
	(pc) =	sbr.rel @p0 .LBB2_2-.Ltmp0, $4  }
0x14a: {  	_ =	swait.ge [sflag:s16], $0x6000;
	s26 =	sadd.s32 s26, s28  }
0x14b: {  	[sflag:s16] =	ssyncset.done $0x0;
	s26 =	sshrl.u32 s26, $0x3  }
0x14c: {  	s23 =	sadd.s32 $0x200, s23;
	[sflag:s16] =	ssyncadd.s32 $0xFFFFA000;
	s26 =	sadd.s32 s4, s26  }
0x14d: {  	[hbm4b:s26+s3] =	stream.linear.scatter [tilespmem:s0], [sflag:$0x8], $0x6000, $0x38;
	[tilespmem:$0x18C00] =	vst v63  }
0x14e: {  	_ =	swait.ge [sflag:s17], $0x6000  }
0x14f: {  	[sflag:s17] =	ssyncset.done $0x0  }
0x150: {  	[sflag:s17] =	ssyncadd.s32 $0xFFFFA000  }
0x151: {  	_ =	swait.ge [sflag:s19], $0x6000  }
0x152: {  	[sflag:s19] =	ssyncset.done $0x0  }
0x153: {  	s22 =	sadd.s32 $0x1, s22;
	[sflag:s19] =	ssyncadd.s32 $0xFFFFA000  }
0x154: {  	p0 =	sne.s32 s22, s11;
	_ =	swait.ge [sflag:s20], $0x6000  }
.Ltmp1:
0x155: {  	[sflag:s20] =	ssyncset.done $0x0;
	(pc) =	sbr.rel @p0 .LBB2_1-.Ltmp1, $4  }
0x156: {  	[sflag:s20] =	ssyncadd.s32 $0xFFFFA000  }
0x157: {  	_ =	swait.ge [sflag:s21], $0x6000  }
0x158: {  	[sflag:s21] =	ssyncset.done $0x0  }
0x159: {  	[sflag:s21] =	ssyncadd.s32 $0xFFFFA000  }
0x15a: {  	_ =	sfence.sel $0x180000  }
0x15b: {  	[bflag:$0x0] =	sbarrier.arrive $0xFFFF  }
0x15c: {  	_ =	strace $0x90000047  }
0x15d: {  	s0 =	stileid.u32;
	[bflag:$0x2] =	sbarrier.arrive $0xFFFF  }
0x15e: {  	p0 =	sne.s32 s0, $0x0;
	s0 =	rddreg [dreg:$0x3]  }
0x15f: {  	s0 =	sadd.s32 @!p0 $0x100000, s0  }
0x160: {  	[sflag:s0] =	ssyncadd.tile.s32 @!p0 $0x1;
	_ =	shalt  }
.Lfunc_end2:
_tile_overlayer_lowered:
.L_overlay_start_2:
0x161: {  	(tag) =	ssettag $0x2  }
0x162: {  	s0 =	rddreg [dreg:$0x0];
	s2 =	stileid.u32  }
0x163: {  	s1 =	rddreg [dreg:$0x1];
	p0 =	sne.s32 s2, $0x0  }
0x164: {  	s3 =	rddreg [dreg:$0x2];
	[bflag:$0x3] =	sbarrier.arrive $0xFFFF;
	s2 =	simm.s32 @!p0 $0x1C09  }
0x165: {  	[timem:s3], [sflag:s2] =	dma.local @!p0 [hbm:s0], s1  }
0x166: {  	s0 =	simm.s32 @!p0 $0x9  }
0x167: {  	_ =	swait.ge @!p0 [sflag:s0], s1  }
0x168: {  	s1 =	ssub.s32 @!p0 $0x0, s1;
	[sflag:s0] =	ssyncset.done @!p0 $0x0  }
0x169: {  	[sflag:s0] =	ssyncadd.s32 @!p0 s1  }
0x16a: {  	[bflag:$0x3] =	sbarrier.arrive $0xFFFF  }
0x16b: {  	_ =	shalt  }

</sc_bundles>
